<compile_context>
chip_gen: v7x
topology: tpu7x:2x2x1
jax: 0.10.2.dev20260603
libtpu: 0.0.44.dev20260713+nightly
codegen_flags: <defaults>
</compile_context>

<pallas_src>
import functools
import math

import jax
import jax.numpy as jnp
from jax import lax
from jax.experimental import pallas as pl
from jax.experimental.pallas import tpu as pltpu
from jax.experimental.pallas import tpu_sc as plsc

N = 20000
NUM_CLASSES = 81
NC1 = NUM_CLASSES - 1
IMG_W = 1024.0
IMG_H = 1024.0
SCORE_THRESH = 0.05
NMS_THRESH = 0.5
DETECTIONS_PER_IMG = 100
K = 200
BBOX_XFORM_CLIP = math.log(1000.0 / 16.0)

NEG_INF = float("-inf")


_TN = 2048


def _softmax_body(x_ref, o_ref):
    x = x_ref[...]
    m = jnp.max(x, axis=1, keepdims=True)
    e = jnp.exp(x - m)
    s = jnp.sum(e, axis=1, keepdims=True)
    p = e / s
    o_ref[...] = jnp.where(p > SCORE_THRESH, p, NEG_INF).T


def _masked_scores_t(class_logits):
    return pl.pallas_call(
        _softmax_body,
        grid=(pl.cdiv(N, _TN),),
        in_specs=[pl.BlockSpec((_TN, NUM_CLASSES), lambda i: (i, 0))],
        out_specs=pl.BlockSpec((NUM_CLASSES, _TN), lambda i: (0, i)),
        out_shape=jax.ShapeDtypeStruct((NUM_CLASSES, N), jnp.float32),
    )(class_logits)



_CAP = 1024


def _sc_compact(scores81):
    mesh = plsc.VectorSubcoreMesh(core_axis_name="c", subcore_axis_name="s")

    @functools.partial(
        pl.kernel,
        mesh=mesh,
        out_type=[
            jax.ShapeDtypeStruct((NC1, _CAP), jnp.float32),
            jax.ShapeDtypeStruct((NC1, _CAP), jnp.int32),
            jax.ShapeDtypeStruct((NC1, 16), jnp.int32),
        ],
        scratch_types=[
            pltpu.VMEM((N,), jnp.float32),
            pltpu.VMEM((_CAP,), jnp.float32),
            pltpu.VMEM((_CAP,), jnp.int32),
            pltpu.VMEM((16,), jnp.int32),
        ],
        compiler_params=pltpu.CompilerParams(
            use_tc_tiling_on_sc=False, needs_layout_passes=False),
    )
    def compact_kernel(s_h, cs_h, ci_h, cnt_h, sbuf, csb, cib, cntb):
        wid = lax.axis_index("s") * 2 + lax.axis_index("c")
        for r in range(3):
            c = jnp.minimum(wid + 32 * r, NC1 - 1)
            pltpu.sync_copy(s_h.at[c + 1], sbuf)

            def step(j, off):
                s = sbuf[pl.ds(j * 16, 16)]
                nvec = j * 16 + lax.iota(jnp.int32, 16)
                m = s > SCORE_THRESH
                mi = jnp.where(m, 1, 0).astype(jnp.int32)
                pos = jnp.minimum(plsc.cumsum(mi) - 1 + off, _CAP - 1)
                plsc.store_scatter(csb, [pos], s, mask=m)
                plsc.store_scatter(cib, [pos], nvec, mask=m)
                cnt_f = jnp.sum(jnp.where(m, 1.0, 0.0))
                return off + cnt_f.astype(jnp.int32)

            total = lax.fori_loop(0, N // 16, step, jnp.int32(0))
            cntb[...] = jnp.full((16,), 1, jnp.int32) * total
            pltpu.sync_copy(csb, cs_h.at[c])
            pltpu.sync_copy(cib, ci_h.at[c])
            pltpu.sync_copy(cntb, cnt_h.at[c])

    return compact_kernel(scores81)



_NW = 32
_BPW = 512
_B = _NW * _BPW
_CHUNK = 128
_D = 16


def _sc_gather(reg16, prop16, ridx, pidx, offr, offp):
    mesh = plsc.VectorSubcoreMesh(core_axis_name="c", subcore_axis_name="s")
    nsteps = _BPW // _CHUNK

    @functools.partial(
        pl.kernel,
        mesh=mesh,
        out_type=[jax.ShapeDtypeStruct((_B,), jnp.float32)] * 8,
        scratch_types=[
            pltpu.VMEM((nsteps, _CHUNK), jnp.int32),
            pltpu.VMEM((nsteps, _CHUNK), jnp.int32),
            pltpu.VMEM((_BPW,), jnp.int32),
            pltpu.VMEM((_BPW,), jnp.int32),
            pltpu.VMEM((_BPW, _D), jnp.float32),
            pltpu.VMEM((_BPW, _D), jnp.float32),
        ] + [pltpu.VMEM((_BPW,), jnp.float32)] * 8 + [
            pltpu.SemaphoreType.DMA,
        ],
        compiler_params=pltpu.CompilerParams(
            use_tc_tiling_on_sc=False, needs_layout_passes=False),
    )
    def gather_kernel(reg_h, prop_h, ridx_h, pidx_h, offr_h, offp_h,
                      odx, ody, odw, odh, ox1, oy1, ox2, oy2,
                      ridx_v, pidx_v, offr_v, offp_v, rrow_v, prow_v,
                      bdx, bdy, bdw, bdh, bx1, by1, bx2, by2, sem):
        wid = lax.axis_index("s") * 2 + lax.axis_index("c")
        pltpu.sync_copy(ridx_h.at[wid], ridx_v)
        pltpu.sync_copy(pidx_h.at[wid], pidx_v)
        pltpu.sync_copy(offr_h.at[wid], offr_v)
        pltpu.sync_copy(offp_h.at[wid], offp_v)
        for k in range(nsteps):
            pltpu.async_copy(reg_h.at[ridx_v.at[k]],
                             rrow_v.at[pl.ds(k * _CHUNK, _CHUNK)], sem).wait()
            pltpu.async_copy(prop_h.at[pidx_v.at[k]],
                             prow_v.at[pl.ds(k * _CHUNK, _CHUNK)], sem).wait()

        def step(j, carry):
            sl = pl.ds(j * 16, 16)
            item = j * 16 + lax.iota(jnp.int32, 16)
            orv = offr_v[sl]
            opv = offp_v[sl]
            bdx[sl] = plsc.load_gather(rrow_v, [item, orv])
            bdy[sl] = plsc.load_gather(rrow_v, [item, orv + 1])
            bdw[sl] = plsc.load_gather(rrow_v, [item, orv + 2])
            bdh[sl] = plsc.load_gather(rrow_v, [item, orv + 3])
            bx1[sl] = plsc.load_gather(prow_v, [item, opv])
            by1[sl] = plsc.load_gather(prow_v, [item, opv + 1])
            bx2[sl] = plsc.load_gather(prow_v, [item, opv + 2])
            by2[sl] = plsc.load_gather(prow_v, [item, opv + 3])
            return carry

        lax.fori_loop(0, _BPW // 16, step, 0)
        base = wid * _BPW
        for src, dst in ((bdx, odx), (bdy, ody), (bdw, odw), (bdh, odh),
                         (bx1, ox1), (by1, oy1), (bx2, ox2), (by2, oy2)):
            pltpu.sync_copy(src, dst.at[pl.ds(base, _BPW)])

    return gather_kernel(reg16, prop16, ridx, pidx, offr, offp)



def _nms_body(dx_r, dy_r, dw_r, dh_r, px1_r, py1_r, px2_r, py2_r, s_r,
              fs_r, x1_r, y1_r, x2_r, y2_r, th_r):
    dx = dx_r[...]
    dy = dy_r[...]
    dw = dw_r[...]
    dh = dh_r[...]
    px1 = px1_r[...]
    py1 = py1_r[...]
    px2 = px2_r[...]
    py2 = py2_r[...]

    w = px2 - px1 + 1.0
    h = py2 - py1 + 1.0
    cx = px1 + 0.5 * w
    cy = py1 + 0.5 * h
    dx = dx / 10.0
    dy = dy / 10.0
    dw = jnp.minimum(dw / 5.0, BBOX_XFORM_CLIP)
    dh = jnp.minimum(dh / 5.0, BBOX_XFORM_CLIP)
    pcx = dx * w + cx
    pcy = dy * h + cy
    pw = jnp.exp(dw) * w
    ph = jnp.exp(dh) * h
    x1 = jnp.clip(pcx - 0.5 * pw, 0.0, IMG_W - 1.0)
    y1 = jnp.clip(pcy - 0.5 * ph, 0.0, IMG_H - 1.0)
    x2 = jnp.clip(pcx + 0.5 * pw - 1.0, 0.0, IMG_W - 1.0)
    y2 = jnp.clip(pcy + 0.5 * ph - 1.0, 0.0, IMG_H - 1.0)
    area = (x2 - x1 + 1.0) * (y2 - y1 + 1.0)
    row = lax.broadcasted_iota(jnp.int32, (K, NC1), 0)
    x1_r[...] = x1
    y1_r[...] = y1
    x2_r[...] = x2
    y2_r[...] = y2
    th_r[...] = dw
    fs_r[...] = jnp.ones((K, NC1), jnp.float32)

    def it(i, carry):
        xi1 = x1_r[pl.ds(i, 1), :]
        yi1 = y1_r[pl.ds(i, 1), :]
        xi2 = x2_r[pl.ds(i, 1), :]
        yi2 = y2_r[pl.ds(i, 1), :]
        ki = fs_r[pl.ds(i, 1), :]
        ai = (xi2 - xi1 + 1.0) * (yi2 - yi1 + 1.0)
        iw = jnp.maximum(
            jnp.minimum(x2, xi2) - jnp.maximum(x1, xi1) + 1.0, 0.0)
        ih = jnp.maximum(
            jnp.minimum(y2, yi2) - jnp.maximum(y1, yi1) + 1.0, 0.0)
        inter = iw * ih
        iou = inter / (area + ai - inter)
        sup = (iou > NMS_THRESH) & (ki > 0.5) & (row > i)
        fs_r[...] = fs_r[...] * jnp.where(sup, 0.0, 1.0)
        return carry

    lax.fori_loop(0, K, it, 0)
    s = s_r[...]
    keep = fs_r[...]
    fs_r[...] = jnp.where((keep > 0.5) & (s > NEG_INF), s, NEG_INF)


def _decode_nms(dx, dy, dw, dh, px1, py1, px2, py2, scores):
    outs = [jax.ShapeDtypeStruct((K, NC1), jnp.float32)] * 6
    return pl.pallas_call(
        _nms_body,
        out_shape=outs,
    )(dx, dy, dw, dh, px1, py1, px2, py2, scores)



def kernel(class_logits, box_regression, proposal_boxes):
    scores81 = _masked_scores_t(class_logits)

    cs, ci, cnt16 = _sc_compact(scores81)
    cnt = cnt16[:, :1]
    lanes = jnp.arange(_CAP, dtype=jnp.int32)[None, :]
    filled = jnp.where(lanes < cnt, cs, NEG_INF)
    slow = jnp.any((cnt > _CAP) | (cnt < K))

    def fast_fn(filled_, ci_, s81_):
        ts, pos = lax.top_k(filled_, K)
        return ts, jnp.take_along_axis(ci_, pos, axis=1)

    def slow_fn(filled_, ci_, s81_):
        ts, ti = lax.top_k(s81_[1:], K)
        return ts, ti

    top_scores, top_idx = lax.cond(
        slow, slow_fn, fast_fn, filled, ci, scores81)

    ti = top_idx.T
    cls1 = jnp.arange(1, NUM_CLASSES, dtype=jnp.int32)[None, :]
    rrow = ti * NUM_CLASSES + cls1
    ridx = (rrow // 4).reshape(-1)
    oreg = (4 * (rrow % 4)).reshape(-1)
    pidx = (ti // 4).reshape(-1)
    oprop = (4 * (ti % 4)).reshape(-1)
    pad = _B - NC1 * K
    zpad = jnp.zeros((pad,), jnp.int32)
    ridx = jnp.concatenate([ridx, zpad]).reshape(_NW, _BPW // _CHUNK, _CHUNK)
    pidx = jnp.concatenate([pidx, zpad]).reshape(_NW, _BPW // _CHUNK, _CHUNK)
    offr = jnp.concatenate([oreg, zpad]).reshape(_NW, _BPW)
    offp = jnp.concatenate([oprop, zpad]).reshape(_NW, _BPW)

    reg16 = box_regression.reshape(N * NUM_CLASSES * 4 // _D, _D)
    prop16 = proposal_boxes.reshape(N * 4 // _D, _D)
    comps = _sc_gather(reg16, prop16, ridx, pidx, offr, offp)
    dx, dy, dw, dh, px1, py1, px2, py2 = (
        c[:NC1 * K].reshape(K, NC1) for c in comps)

    fs, x1, y1, x2, y2, th = _decode_nms(
        dx, dy, dw, dh, px1, py1, px2, py2, top_scores.T)

    flat_scores = fs.T.reshape(-1)
    sel_scores, sel_idx = lax.top_k(flat_scores, DETECTIONS_PER_IMG)
    x1f = x1.T.reshape(-1)[sel_idx]
    y1f = y1.T.reshape(-1)[sel_idx]
    x2f = x2.T.reshape(-1)[sel_idx]
    y2f = y2.T.reshape(-1)[sel_idx]
    out_boxes = jnp.stack([x1f, y1f, x2f, y2f], axis=-1)
    out_theta = th.T.reshape(-1)[sel_idx]
    out_labels = (sel_idx // K + 1).astype(jnp.int32)
    return out_boxes, sel_scores, out_theta, out_labels

# --- scband reference (transcript-rebuilt; emitter-appended) ---
"""Pipeline reference for scband-post-processor-54838142435678 (READ-ONLY COPY).

The authoritative reference and input builder live on the scoring server;
editing this copy changes nothing except your own understanding.
"""

import jax, jax.numpy as jnp
import numpy as np
import math

N = 20000
NUM_CLASSES = 81
IMG_W = 1024.0
IMG_H = 1024.0
SCORE_THRESH = 0.05
NMS_THRESH = 0.5
DETECTIONS_PER_IMG = 100
PRE_NMS_TOPK = 200
WX, WY, WW, WH = 10.0, 10.0, 5.0, 5.0
BBOX_XFORM_CLIP = math.log(1000.0 / 16.0)


def setup_inputs(seed: int = 0):
    key = jax.random.key(seed)
    k1, k2, k3, k4 = jax.random.split(key, 4)
    class_logits = jax.random.normal(k1, (N, NUM_CLASSES), dtype=jnp.float32)
    box_regression = jax.random.normal(k2, (N, NUM_CLASSES * 4), dtype=jnp.float32) * 0.5
    ctr = jax.random.uniform(k3, (N, 2), minval=0.0, maxval=IMG_W)
    wh = jax.random.uniform(k4, (N, 2), minval=8.0, maxval=256.0)
    x1y1 = jnp.clip(ctr - 0.5 * wh, 0.0, IMG_W - 1.0)
    x2y2 = jnp.clip(ctr + 0.5 * wh, 0.0, IMG_W - 1.0)
    proposal_boxes = jnp.concatenate([x1y1, x2y2], axis=1).astype(jnp.float32)
    return {"class_logits": class_logits, "box_regression": box_regression, "proposal_boxes": proposal_boxes}


def _decode(rel_codes, boxes):
    # BoxCoder.decode with weights (10,10,5,5), maskrcnn-benchmark convention (TO_REMOVE=1)
    TO_REMOVE = 1.0
    widths = boxes[:, 2] - boxes[:, 0] + TO_REMOVE
    heights = boxes[:, 3] - boxes[:, 1] + TO_REMOVE
    ctr_x = boxes[:, 0] + 0.5 * widths
    ctr_y = boxes[:, 1] + 0.5 * heights
    dx = rel_codes[:, 0::4] / WX
    dy = rel_codes[:, 1::4] / WY
    dw = jnp.minimum(rel_codes[:, 2::4] / WW, BBOX_XFORM_CLIP)
    dh = jnp.minimum(rel_codes[:, 3::4] / WH, BBOX_XFORM_CLIP)
    pred_ctr_x = dx * widths[:, None] + ctr_x[:, None]
    pred_ctr_y = dy * heights[:, None] + ctr_y[:, None]
    pred_w = jnp.exp(dw) * widths[:, None]
    pred_h = jnp.exp(dh) * heights[:, None]
    x1 = pred_ctr_x - 0.5 * pred_w
    y1 = pred_ctr_y - 0.5 * pred_h
    x2 = pred_ctr_x + 0.5 * pred_w - 1.0
    y2 = pred_ctr_y + 0.5 * pred_h - 1.0
    pred_boxes = jnp.stack([x1, y1, x2, y2], axis=-1)  # [N, C, 4]
    pre_thetas = dw  # per-class theta channel (lambda_integrated decode side output)
    return pred_boxes, pre_thetas


def _iou_matrix(b):
    # b: [C, K, 4] -> [C, K, K]
    TO_REMOVE = 1.0
    area = (b[..., 2] - b[..., 0] + TO_REMOVE) * (b[..., 3] - b[..., 1] + TO_REMOVE)
    lt = jnp.maximum(b[:, :, None, :2], b[:, None, :, :2])
    rb = jnp.minimum(b[:, :, None, 2:], b[:, None, :, 2:])
    wh = jnp.clip(rb - lt + TO_REMOVE, 0.0, None)
    inter = wh[..., 0] * wh[..., 1]
    return inter / (area[:, :, None] + area[:, None, :] - inter)


def _nms_keep(iou):
    # greedy NMS over score-sorted candidates, batched over classes. iou: [C, K, K]
    C, K, _ = iou.shape
    keep = jnp.ones((C, K), dtype=bool)
    idx = jnp.arange(K)
    for i in range(K):
        sup = (iou[:, i, :] > NMS_THRESH) & keep[:, i:i + 1] & (idx[None, :] > i)
        keep = keep & (~sup)
    return keep


def _forward(class_logits, box_regression, proposal_boxes):
    class_prob = jax.nn.softmax(class_logits, axis=-1)  # [N, C]
    pred_boxes, theta = _decode(box_regression, proposal_boxes)  # [N, C, 4], [N, C]
    # clip_to_image(remove_empty=False)
    x1 = jnp.clip(pred_boxes[..., 0], 0.0, IMG_W - 1.0)
    y1 = jnp.clip(pred_boxes[..., 1], 0.0, IMG_H - 1.0)
    x2 = jnp.clip(pred_boxes[..., 2], 0.0, IMG_W - 1.0)
    y2 = jnp.clip(pred_boxes[..., 3], 0.0, IMG_H - 1.0)
    pred_boxes = jnp.stack([x1, y1, x2, y2], axis=-1)
    # skip background class 0
    scores_c = class_prob[:, 1:].T  # [C-1, N]
    boxes_c = jnp.transpose(pred_boxes[:, 1:, :], (1, 0, 2))  # [C-1, N, 4]
    theta_c = theta[:, 1:].T  # [C-1, N]
    masked = jnp.where(scores_c > SCORE_THRESH, scores_c, -jnp.inf)
    top_scores, top_idx = jax.lax.top_k(masked, PRE_NMS_TOPK)  # [C-1, K]
    top_boxes = jnp.take_along_axis(boxes_c, top_idx[..., None], axis=1)  # [C-1, K, 4]
    top_theta = jnp.take_along_axis(theta_c, top_idx, axis=1)  # [C-1, K]
    iou = _iou_matrix(top_boxes)
    keep = _nms_keep(iou) & jnp.isfinite(top_scores)
    final_scores = jnp.where(keep, top_scores, -jnp.inf)
    flat_scores = final_scores.reshape(-1)
    flat_boxes = top_boxes.reshape(-1, 4)
    flat_theta = top_theta.reshape(-1)
    flat_labels = jnp.repeat(jnp.arange(1, NUM_CLASSES, dtype=jnp.int64 if jax.config.jax_enable_x64 else jnp.int32), PRE_NMS_TOPK)
    sel_scores, sel_idx = jax.lax.top_k(flat_scores, DETECTIONS_PER_IMG)
    out_boxes = flat_boxes[sel_idx]
    out_theta = flat_theta[sel_idx]
    out_labels = flat_labels[sel_idx]
    return out_boxes, sel_scores, out_theta, out_labels


def reference(class_logits, box_regression, proposal_boxes):
    return _forward(class_logits, box_regression, proposal_boxes)

if __name__ == "__main__":
    import jax
    _d = setup_inputs()
    print(jax.jit(kernel)(*tuple(_d.values())))

</pallas_src>

<mosaic_0001>
#map = affine_map<(d0, d1) -> (0, 0)>
module attributes {stable_mosaic.version = 14 : i64} {
  func.func @compact_kernel(%arg0: i32, %arg1: i32, %arg2: memref<81x20000xf32, #tpu.memory_space<hbm>>, %arg3: memref<80x1024xf32, #tpu.memory_space<hbm>>, %arg4: memref<80x1024xi32, #tpu.memory_space<hbm>>, %arg5: memref<80x16xi32, #tpu.memory_space<hbm>>, %arg6: memref<20000xf32, #tpu.memory_space<vmem>>, %arg7: memref<1024xf32, #tpu.memory_space<vmem>>, %arg8: memref<1024xi32, #tpu.memory_space<vmem>>, %arg9: memref<16xi32, #tpu.memory_space<vmem>>) attributes {dimension_semantics = [#tpu.dimension_semantics<core_parallel>, #tpu.dimension_semantics<subcore_parallel>], iteration_bounds = array<i64: 2, 16>, scalar_prefetch = 0 : i64, scratch_operands = 4 : i64, tpu.core_type = #tpu.core_type<sc_vector_subcore>, window_params = [{transform_indices = #map}, {transform_indices = #map}, {transform_indices = #map}, {transform_indices = #map}]} {
    %mul3A = arith.constant 2 : i32
    %mul3A_0 = arith.muli %arg1, %mul3A : i32
    %add3A = arith.addi %mul3A_0, %arg0 : i32
    %add3A_1 = arith.constant 0 : i32
    %add3A_2 = arith.addi %add3A, %add3A_1 : i32
    %min3A = arith.constant 79 : i32
    %min3A_3 = arith.minsi %add3A_2, %min3A : i32
    %add3A_4 = arith.constant 1 : i32
    %add3A_5 = arith.addi %min3A_3, %add3A_4 : i32
    "tpu.region"() ({
      %run_scoped3A = tpu.sem_alloc : memref<!tpu.dma_semaphore, #tpu.memory_space<semaphore_mem>>
      %dma_start3A = arith.constant 0 : i32
      %dma_start3A_54 = tpu.memref_slice %arg2[%add3A_5, %dma_start3A] : memref<81x20000xf32, #tpu.memory_space<hbm>> -> memref<1x20000xf32, #tpu.memory_space<hbm>>
      %dma_start3A_55 = tpu.memref_squeeze %dma_start3A_54 : memref<1x20000xf32, #tpu.memory_space<hbm>> -> memref<20000xf32, #tpu.memory_space<hbm>>
      %dma_start3A_56 = arith.constant 0 : i32
      %dma_start3A_57 = tpu.memref_slice %arg2[%add3A_5, %dma_start3A_56] : memref<81x20000xf32, #tpu.memory_space<hbm>> -> memref<1x20000xf32, #tpu.memory_space<hbm>>
      %dma_start3A_58 = tpu.memref_squeeze %dma_start3A_57 : memref<1x20000xf32, #tpu.memory_space<hbm>> -> memref<20000xf32, #tpu.memory_space<hbm>>
      tpu.enqueue_dma source(%dma_start3A_58 : memref<20000xf32, #tpu.memory_space<hbm>>) target(%arg6 : memref<20000xf32, #tpu.memory_space<vmem>>) target_semaphore(%run_scoped3A : memref<!tpu.dma_semaphore, #tpu.memory_space<semaphore_mem>>)
      %dma_wait3A = arith.constant 0 : i32
      %dma_wait3A_59 = tpu.memref_slice %arg2[%add3A_5, %dma_wait3A] : memref<81x20000xf32, #tpu.memory_space<hbm>> -> memref<1x20000xf32, #tpu.memory_space<hbm>>
      %dma_wait3A_60 = tpu.memref_squeeze %dma_wait3A_59 : memref<1x20000xf32, #tpu.memory_space<hbm>> -> memref<20000xf32, #tpu.memory_space<hbm>>
      %dma_wait3A_61 = arith.constant 0 : i32
      %dma_wait3A_62 = tpu.memref_slice %arg2[%add3A_5, %dma_wait3A_61] : memref<81x20000xf32, #tpu.memory_space<hbm>> -> memref<1x20000xf32, #tpu.memory_space<hbm>>
      %dma_wait3A_63 = tpu.memref_squeeze %dma_wait3A_62 : memref<1x20000xf32, #tpu.memory_space<hbm>> -> memref<20000xf32, #tpu.memory_space<hbm>>
      tpu.wait_dma2 semaphore(%run_scoped3A : memref<!tpu.dma_semaphore, #tpu.memory_space<semaphore_mem>>) src(%dma_wait3A_63 : memref<20000xf32, #tpu.memory_space<hbm>>) dst(%arg6 : memref<20000xf32, #tpu.memory_space<vmem>>)
      tpu.yield
    }) : () -> ()
    %scan3A = arith.constant 0 : i32
    %scan3A_6 = arith.constant 0 : i32
    %scan3A_7 = arith.constant 1250 : i32
    %scan3A_8 = arith.addi %scan3A_6, %scan3A_7 : i32
    %scan3A_9 = arith.constant 1 : i32
    %scan3A_10 = scf.for %scan3A_54 = %scan3A_6 to %scan3A_8 step %scan3A_9 iter_args(%scan3A_55 = %scan3A) -> (i32)  : i32 {
      %mul3A_56 = arith.constant 16 : i32
      %mul3A_57 = arith.muli %scan3A_54, %mul3A_56 : i32
      %get3A = arith.index_cast %mul3A_57 : i32 to index
      %get3A_58 = tpu.vector_load %arg6[%get3A] {strides = array<i32>} : memref<20000xf32, #tpu.memory_space<vmem>>, vector<16xf32>,
      %mul3A_59 = arith.constant 16 : i32
      %mul3A_60 = arith.muli %scan3A_54, %mul3A_59 : i32
      %iota3A = tpu.iota {dimensions = array<i32: 0>} : vector<16xi32>
      %add3A_61 = vector.broadcast %mul3A_60 : i32 to vector<16xi32>
      %add3A_62 = arith.addi %add3A_61, %iota3A : vector<16xi32>
      %gt3A = arith.constant 5.000000e-02 : f32
      %gt3A_63 = vector.broadcast %gt3A : f32 to vector<16xf32>
      %gt3A_64 = arith.cmpf ogt, %get3A_58, %gt3A_63 : vector<16xf32>
      %jit3A = arith.constant 1 : i32
      %jit3A_65 = arith.constant 0 : i32
      %broadcast_in_dim3A_66 = vector.broadcast %jit3A : i32 to vector<16xi32>
      %broadcast_in_dim3A_67 = vector.broadcast %jit3A_65 : i32 to vector<16xi32>
      %select_n3A = arith.select %gt3A_64, %broadcast_in_dim3A_66, %broadcast_in_dim3A_67 : vector<16xi1>, vector<16xi32>
      %broadcast_in_dim3A_68 = arith.constant true
      %broadcast_in_dim3A_69 = vector.broadcast %broadcast_in_dim3A_68 : i1 to vector<16xi1>
      %masked_cumsum3A = tpu.scan <sum>, %select_n3A masked %broadcast_in_dim3A_69 : vector<16xi32>, vector<16xi1> -> vector<16xi32>
      %sub3A = arith.constant 1 : i32
      %sub3A_70 = vector.broadcast %sub3A : i32 to vector<16xi32>
      %sub3A_71 = arith.subi %masked_cumsum3A, %sub3A_70 : vector<16xi32>
      %add3A_72 = vector.broadcast %scan3A_55 : i32 to vector<16xi32>
      %add3A_73 = arith.addi %sub3A_71, %add3A_72 : vector<16xi32>
      %min3A_74 = arith.constant 1023 : i32
      %min3A_75 = vector.broadcast %min3A_74 : i32 to vector<16xi32>
      %min3A_76 = arith.minsi %add3A_73, %min3A_75 : vector<16xi32>
      tpu.vector_store_idx %arg7[%min3A_76], %get3A_58 masked %gt3A_64 : memref<1024xf32, #tpu.memory_space<vmem>>[vector<16xi32>], vector<16xf32>, vector<16xi1>
      tpu.vector_store_idx %arg8[%min3A_76], %add3A_62 masked %gt3A_64 : memref<1024xi32, #tpu.memory_space<vmem>>[vector<16xi32>], vector<16xi32>, vector<16xi1>
      %jit3A_77 = arith.constant 1.000000e+00 : f32
      %jit3A_78 = arith.constant 0.000000e+00 : f32
      %broadcast_in_dim3A_79 = vector.broadcast %jit3A_77 : f32 to vector<16xf32>
      %broadcast_in_dim3A_80 = vector.broadcast %jit3A_78 : f32 to vector<16xf32>
      %select_n3A_81 = arith.select %gt3A_64, %broadcast_in_dim3A_79, %broadcast_in_dim3A_80 : vector<16xi1>, vector<16xf32>
      %reduce_sum3A = arith.constant true
      %reduce_sum3A_82 = vector.broadcast %reduce_sum3A : i1 to vector<16xi1>
      %reduce_sum3A_83 = tpu.scan <sum>, %select_n3A_81 masked %reduce_sum3A_82 : vector<16xf32>, vector<16xi1> -> vector<16xf32>
      %reduce_sum3A_84 = vector.extract %reduce_sum3A_83[15] : f32 from vector<16xf32>
      %convert_element_type3A = arith.fptosi %reduce_sum3A_84 : f32 to i32
      %add3A_85 = arith.addi %scan3A_55, %convert_element_type3A : i32
      scf.yield %add3A_85 : i32
    }
    %scan3A_11 = arith.constant 1250 : i32
    %broadcast_in_dim3A = arith.constant 1 : i32
    %broadcast_in_dim3A_12 = vector.broadcast %broadcast_in_dim3A : i32 to vector<16xi32>
    %mul3A_13 = vector.broadcast %scan3A_10 : i32 to vector<16xi32>
    %mul3A_14 = arith.muli %broadcast_in_dim3A_12, %mul3A_13 : vector<16xi32>
    %swap3A = arith.constant 0 : index
    %swap3A_15 = tpu.vector_load %arg9[%swap3A] {strides = array<i32>} : memref<16xi32, #tpu.memory_space<vmem>>, vector<16xi32>,
    tpu.vector_store %arg9[%swap3A], %mul3A_14 {strides = array<i32>} : memref<16xi32, #tpu.memory_space<vmem>>, vector<16xi32>,
    "tpu.region"() ({
      %run_scoped3A = tpu.sem_alloc : memref<!tpu.dma_semaphore, #tpu.memory_space<semaphore_mem>>
      %dma_start3A = arith.constant 0 : i32
      %dma_start3A_54 = tpu.memref_slice %arg3[%min3A_3, %dma_start3A] : memref<80x1024xf32, #tpu.memory_space<hbm>> -> memref<1x1024xf32, #tpu.memory_space<hbm>>
      %dma_start3A_55 = tpu.memref_squeeze %dma_start3A_54 : memref<1x1024xf32, #tpu.memory_space<hbm>> -> memref<1024xf32, #tpu.memory_space<hbm>>
      %dma_start3A_56 = arith.constant 0 : i32
      %dma_start3A_57 = tpu.memref_slice %arg3[%min3A_3, %dma_start3A_56] : memref<80x1024xf32, #tpu.memory_space<hbm>> -> memref<1x1024xf32, #tpu.memory_space<hbm>>
      %dma_start3A_58 = tpu.memref_squeeze %dma_start3A_57 : memref<1x1024xf32, #tpu.memory_space<hbm>> -> memref<1024xf32, #tpu.memory_space<hbm>>
      tpu.enqueue_dma source(%arg7 : memref<1024xf32, #tpu.memory_space<vmem>>) target(%dma_start3A_58 : memref<1024xf32, #tpu.memory_space<hbm>>) target_semaphore(%run_scoped3A : memref<!tpu.dma_semaphore, #tpu.memory_space<semaphore_mem>>)
      %dma_wait3A = arith.constant 0 : i32
      %dma_wait3A_59 = tpu.memref_slice %arg3[%min3A_3, %dma_wait3A] : memref<80x1024xf32, #tpu.memory_space<hbm>> -> memref<1x1024xf32, #tpu.memory_space<hbm>>
      %dma_wait3A_60 = tpu.memref_squeeze %dma_wait3A_59 : memref<1x1024xf32, #tpu.memory_space<hbm>> -> memref<1024xf32, #tpu.memory_space<hbm>>
      %dma_wait3A_61 = arith.constant 0 : i32
      %dma_wait3A_62 = tpu.memref_slice %arg3[%min3A_3, %dma_wait3A_61] : memref<80x1024xf32, #tpu.memory_space<hbm>> -> memref<1x1024xf32, #tpu.memory_space<hbm>>
      %dma_wait3A_63 = tpu.memref_squeeze %dma_wait3A_62 : memref<1x1024xf32, #tpu.memory_space<hbm>> -> memref<1024xf32, #tpu.memory_space<hbm>>
      tpu.wait_dma2 semaphore(%run_scoped3A : memref<!tpu.dma_semaphore, #tpu.memory_space<semaphore_mem>>) src(%arg7 : memref<1024xf32, #tpu.memory_space<vmem>>) dst(%dma_wait3A_63 : memref<1024xf32, #tpu.memory_space<hbm>>)
      tpu.yield
    }) : () -> ()
    "tpu.region"() ({
      %run_scoped3A = tpu.sem_alloc : memref<!tpu.dma_semaphore, #tpu.memory_space<semaphore_mem>>
      %dma_start3A = arith.constant 0 : i32
      %dma_start3A_54 = tpu.memref_slice %arg4[%min3A_3, %dma_start3A] : memref<80x1024xi32, #tpu.memory_space<hbm>> -> memref<1x1024xi32, #tpu.memory_space<hbm>>
      %dma_start3A_55 = tpu.memref_squeeze %dma_start3A_54 : memref<1x1024xi32, #tpu.memory_space<hbm>> -> memref<1024xi32, #tpu.memory_space<hbm>>
      %dma_start3A_56 = arith.constant 0 : i32
      %dma_start3A_57 = tpu.memref_slice %arg4[%min3A_3, %dma_start3A_56] : memref<80x1024xi32, #tpu.memory_space<hbm>> -> memref<1x1024xi32, #tpu.memory_space<hbm>>
      %dma_start3A_58 = tpu.memref_squeeze %dma_start3A_57 : memref<1x1024xi32, #tpu.memory_space<hbm>> -> memref<1024xi32, #tpu.memory_space<hbm>>
      tpu.enqueue_dma source(%arg8 : memref<1024xi32, #tpu.memory_space<vmem>>) target(%dma_start3A_58 : memref<1024xi32, #tpu.memory_space<hbm>>) target_semaphore(%run_scoped3A : memref<!tpu.dma_semaphore, #tpu.memory_space<semaphore_mem>>)
      %dma_wait3A = arith.constant 0 : i32
      %dma_wait3A_59 = tpu.memref_slice %arg4[%min3A_3, %dma_wait3A] : memref<80x1024xi32, #tpu.memory_space<hbm>> -> memref<1x1024xi32, #tpu.memory_space<hbm>>
      %dma_wait3A_60 = tpu.memref_squeeze %dma_wait3A_59 : memref<1x1024xi32, #tpu.memory_space<hbm>> -> memref<1024xi32, #tpu.memory_space<hbm>>
      %dma_wait3A_61 = arith.constant 0 : i32
      %dma_wait3A_62 = tpu.memref_slice %arg4[%min3A_3, %dma_wait3A_61] : memref<80x1024xi32, #tpu.memory_space<hbm>> -> memref<1x1024xi32, #tpu.memory_space<hbm>>
      %dma_wait3A_63 = tpu.memref_squeeze %dma_wait3A_62 : memref<1x1024xi32, #tpu.memory_space<hbm>> -> memref<1024xi32, #tpu.memory_space<hbm>>
      tpu.wait_dma2 semaphore(%run_scoped3A : memref<!tpu.dma_semaphore, #tpu.memory_space<semaphore_mem>>) src(%arg8 : memref<1024xi32, #tpu.memory_space<vmem>>) dst(%dma_wait3A_63 : memref<1024xi32, #tpu.memory_space<hbm>>)
      tpu.yield
    }) : () -> ()
    "tpu.region"() ({
      %run_scoped3A = tpu.sem_alloc : memref<!tpu.dma_semaphore, #tpu.memory_space<semaphore_mem>>
      %dma_start3A = arith.constant 0 : i32
      %dma_start3A_54 = tpu.memref_slice %arg5[%min3A_3, %dma_start3A] : memref<80x16xi32, #tpu.memory_space<hbm>> -> memref<1x16xi32, #tpu.memory_space<hbm>>
      %dma_start3A_55 = tpu.memref_squeeze %dma_start3A_54 : memref<1x16xi32, #tpu.memory_space<hbm>> -> memref<16xi32, #tpu.memory_space<hbm>>
      %dma_start3A_56 = arith.constant 0 : i32
      %dma_start3A_57 = tpu.memref_slice %arg5[%min3A_3, %dma_start3A_56] : memref<80x16xi32, #tpu.memory_space<hbm>> -> memref<1x16xi32, #tpu.memory_space<hbm>>
      %dma_start3A_58 = tpu.memref_squeeze %dma_start3A_57 : memref<1x16xi32, #tpu.memory_space<hbm>> -> memref<16xi32, #tpu.memory_space<hbm>>
      tpu.enqueue_dma source(%arg9 : memref<16xi32, #tpu.memory_space<vmem>>) target(%dma_start3A_58 : memref<16xi32, #tpu.memory_space<hbm>>) target_semaphore(%run_scoped3A : memref<!tpu.dma_semaphore, #tpu.memory_space<semaphore_mem>>)
      %dma_wait3A = arith.constant 0 : i32
      %dma_wait3A_59 = tpu.memref_slice %arg5[%min3A_3, %dma_wait3A] : memref<80x16xi32, #tpu.memory_space<hbm>> -> memref<1x16xi32, #tpu.memory_space<hbm>>
      %dma_wait3A_60 = tpu.memref_squeeze %dma_wait3A_59 : memref<1x16xi32, #tpu.memory_space<hbm>> -> memref<16xi32, #tpu.memory_space<hbm>>
      %dma_wait3A_61 = arith.constant 0 : i32
      %dma_wait3A_62 = tpu.memref_slice %arg5[%min3A_3, %dma_wait3A_61] : memref<80x16xi32, #tpu.memory_space<hbm>> -> memref<1x16xi32, #tpu.memory_space<hbm>>
      %dma_wait3A_63 = tpu.memref_squeeze %dma_wait3A_62 : memref<1x16xi32, #tpu.memory_space<hbm>> -> memref<16xi32, #tpu.memory_space<hbm>>
      tpu.wait_dma2 semaphore(%run_scoped3A : memref<!tpu.dma_semaphore, #tpu.memory_space<semaphore_mem>>) src(%arg9 : memref<16xi32, #tpu.memory_space<vmem>>) dst(%dma_wait3A_63 : memref<16xi32, #tpu.memory_space<hbm>>)
      tpu.yield
    }) : () -> ()
    %add3A_16 = arith.constant 32 : i32
    %add3A_17 = arith.addi %add3A, %add3A_16 : i32
    %min3A_18 = arith.constant 79 : i32
    %min3A_19 = arith.minsi %add3A_17, %min3A_18 : i32
    %add3A_20 = arith.constant 1 : i32
    %add3A_21 = arith.addi %min3A_19, %add3A_20 : i32
    "tpu.region"() ({
      %run_scoped3A = tpu.sem_alloc : memref<!tpu.dma_semaphore, #tpu.memory_space<semaphore_mem>>
      %dma_start3A = arith.constant 0 : i32
      %dma_start3A_54 = tpu.memref_slice %arg2[%add3A_21, %dma_start3A] : memref<81x20000xf32, #tpu.memory_space<hbm>> -> memref<1x20000xf32, #tpu.memory_space<hbm>>
      %dma_start3A_55 = tpu.memref_squeeze %dma_start3A_54 : memref<1x20000xf32, #tpu.memory_space<hbm>> -> memref<20000xf32, #tpu.memory_space<hbm>>
      %dma_start3A_56 = arith.constant 0 : i32
      %dma_start3A_57 = tpu.memref_slice %arg2[%add3A_21, %dma_start3A_56] : memref<81x20000xf32, #tpu.memory_space<hbm>> -> memref<1x20000xf32, #tpu.memory_space<hbm>>
      %dma_start3A_58 = tpu.memref_squeeze %dma_start3A_57 : memref<1x20000xf32, #tpu.memory_space<hbm>> -> memref<20000xf32, #tpu.memory_space<hbm>>
      tpu.enqueue_dma source(%dma_start3A_58 : memref<20000xf32, #tpu.memory_space<hbm>>) target(%arg6 : memref<20000xf32, #tpu.memory_space<vmem>>) target_semaphore(%run_scoped3A : memref<!tpu.dma_semaphore, #tpu.memory_space<semaphore_mem>>)
      %dma_wait3A = arith.constant 0 : i32
      %dma_wait3A_59 = tpu.memref_slice %arg2[%add3A_21, %dma_wait3A] : memref<81x20000xf32, #tpu.memory_space<hbm>> -> memref<1x20000xf32, #tpu.memory_space<hbm>>
      %dma_wait3A_60 = tpu.memref_squeeze %dma_wait3A_59 : memref<1x20000xf32, #tpu.memory_space<hbm>> -> memref<20000xf32, #tpu.memory_space<hbm>>
      %dma_wait3A_61 = arith.constant 0 : i32
      %dma_wait3A_62 = tpu.memref_slice %arg2[%add3A_21, %dma_wait3A_61] : memref<81x20000xf32, #tpu.memory_space<hbm>> -> memref<1x20000xf32, #tpu.memory_space<hbm>>
      %dma_wait3A_63 = tpu.memref_squeeze %dma_wait3A_62 : memref<1x20000xf32, #tpu.memory_space<hbm>> -> memref<20000xf32, #tpu.memory_space<hbm>>
      tpu.wait_dma2 semaphore(%run_scoped3A : memref<!tpu.dma_semaphore, #tpu.memory_space<semaphore_mem>>) src(%dma_wait3A_63 : memref<20000xf32, #tpu.memory_space<hbm>>) dst(%arg6 : memref<20000xf32, #tpu.memory_space<vmem>>)
      tpu.yield
    }) : () -> ()
    %scan3A_22 = arith.constant 0 : i32
    %scan3A_23 = arith.constant 0 : i32
    %scan3A_24 = arith.constant 1250 : i32
    %scan3A_25 = arith.addi %scan3A_23, %scan3A_24 : i32
    %scan3A_26 = arith.constant 1 : i32
    %scan3A_27 = scf.for %scan3A_54 = %scan3A_23 to %scan3A_25 step %scan3A_26 iter_args(%scan3A_55 = %scan3A_22) -> (i32)  : i32 {
      %mul3A_56 = arith.constant 16 : i32
      %mul3A_57 = arith.muli %scan3A_54, %mul3A_56 : i32
      %get3A = arith.index_cast %mul3A_57 : i32 to index
      %get3A_58 = tpu.vector_load %arg6[%get3A] {strides = array<i32>} : memref<20000xf32, #tpu.memory_space<vmem>>, vector<16xf32>,
      %mul3A_59 = arith.constant 16 : i32
      %mul3A_60 = arith.muli %scan3A_54, %mul3A_59 : i32
      %iota3A = tpu.iota {dimensions = array<i32: 0>} : vector<16xi32>
      %add3A_61 = vector.broadcast %mul3A_60 : i32 to vector<16xi32>
      %add3A_62 = arith.addi %add3A_61, %iota3A : vector<16xi32>
      %gt3A = arith.constant 5.000000e-02 : f32
      %gt3A_63 = vector.broadcast %gt3A : f32 to vector<16xf32>
      %gt3A_64 = arith.cmpf ogt, %get3A_58, %gt3A_63 : vector<16xf32>
      %jit3A = arith.constant 1 : i32
      %jit3A_65 = arith.constant 0 : i32
      %broadcast_in_dim3A_66 = vector.broadcast %jit3A : i32 to vector<16xi32>
      %broadcast_in_dim3A_67 = vector.broadcast %jit3A_65 : i32 to vector<16xi32>
      %select_n3A = arith.select %gt3A_64, %broadcast_in_dim3A_66, %broadcast_in_dim3A_67 : vector<16xi1>, vector<16xi32>
      %broadcast_in_dim3A_68 = arith.constant true
      %broadcast_in_dim3A_69 = vector.broadcast %broadcast_in_dim3A_68 : i1 to vector<16xi1>
      %masked_cumsum3A = tpu.scan <sum>, %select_n3A masked %broadcast_in_dim3A_69 : vector<16xi32>, vector<16xi1> -> vector<16xi32>
      %sub3A = arith.constant 1 : i32
      %sub3A_70 = vector.broadcast %sub3A : i32 to vector<16xi32>
      %sub3A_71 = arith.subi %masked_cumsum3A, %sub3A_70 : vector<16xi32>
      %add3A_72 = vector.broadcast %scan3A_55 : i32 to vector<16xi32>
      %add3A_73 = arith.addi %sub3A_71, %add3A_72 : vector<16xi32>
      %min3A_74 = arith.constant 1023 : i32
      %min3A_75 = vector.broadcast %min3A_74 : i32 to vector<16xi32>
      %min3A_76 = arith.minsi %add3A_73, %min3A_75 : vector<16xi32>
      tpu.vector_store_idx %arg7[%min3A_76], %get3A_58 masked %gt3A_64 : memref<1024xf32, #tpu.memory_space<vmem>>[vector<16xi32>], vector<16xf32>, vector<16xi1>
      tpu.vector_store_idx %arg8[%min3A_76], %add3A_62 masked %gt3A_64 : memref<1024xi32, #tpu.memory_space<vmem>>[vector<16xi32>], vector<16xi32>, vector<16xi1>
      %jit3A_77 = arith.constant 1.000000e+00 : f32
      %jit3A_78 = arith.constant 0.000000e+00 : f32
      %broadcast_in_dim3A_79 = vector.broadcast %jit3A_77 : f32 to vector<16xf32>
      %broadcast_in_dim3A_80 = vector.broadcast %jit3A_78 : f32 to vector<16xf32>
      %select_n3A_81 = arith.select %gt3A_64, %broadcast_in_dim3A_79, %broadcast_in_dim3A_80 : vector<16xi1>, vector<16xf32>
      %reduce_sum3A = arith.constant true
      %reduce_sum3A_82 = vector.broadcast %reduce_sum3A : i1 to vector<16xi1>
      %reduce_sum3A_83 = tpu.scan <sum>, %select_n3A_81 masked %reduce_sum3A_82 : vector<16xf32>, vector<16xi1> -> vector<16xf32>
      %reduce_sum3A_84 = vector.extract %reduce_sum3A_83[15] : f32 from vector<16xf32>
      %convert_element_type3A = arith.fptosi %reduce_sum3A_84 : f32 to i32
      %add3A_85 = arith.addi %scan3A_55, %convert_element_type3A : i32
      scf.yield %add3A_85 : i32
    }
    %scan3A_28 = arith.constant 1250 : i32
    %broadcast_in_dim3A_29 = arith.constant 1 : i32
    %broadcast_in_dim3A_30 = vector.broadcast %broadcast_in_dim3A_29 : i32 to vector<16xi32>
    %mul3A_31 = vector.broadcast %scan3A_27 : i32 to vector<16xi32>
    %mul3A_32 = arith.muli %broadcast_in_dim3A_30, %mul3A_31 : vector<16xi32>
    %swap3A_33 = arith.constant 0 : index
    %swap3A_34 = tpu.vector_load %arg9[%swap3A_33] {strides = array<i32>} : memref<16xi32, #tpu.memory_space<vmem>>, vector<16xi32>,
    tpu.vector_store %arg9[%swap3A_33], %mul3A_32 {strides = array<i32>} : memref<16xi32, #tpu.memory_space<vmem>>, vector<16xi32>,
    "tpu.region"() ({
      %run_scoped3A = tpu.sem_alloc : memref<!tpu.dma_semaphore, #tpu.memory_space<semaphore_mem>>
      %dma_start3A = arith.constant 0 : i32
      %dma_start3A_54 = tpu.memref_slice %arg3[%min3A_19, %dma_start3A] : memref<80x1024xf32, #tpu.memory_space<hbm>> -> memref<1x1024xf32, #tpu.memory_space<hbm>>
      %dma_start3A_55 = tpu.memref_squeeze %dma_start3A_54 : memref<1x1024xf32, #tpu.memory_space<hbm>> -> memref<1024xf32, #tpu.memory_space<hbm>>
      %dma_start3A_56 = arith.constant 0 : i32
      %dma_start3A_57 = tpu.memref_slice %arg3[%min3A_19, %dma_start3A_56] : memref<80x1024xf32, #tpu.memory_space<hbm>> -> memref<1x1024xf32, #tpu.memory_space<hbm>>
      %dma_start3A_58 = tpu.memref_squeeze %dma_start3A_57 : memref<1x1024xf32, #tpu.memory_space<hbm>> -> memref<1024xf32, #tpu.memory_space<hbm>>
      tpu.enqueue_dma source(%arg7 : memref<1024xf32, #tpu.memory_space<vmem>>) target(%dma_start3A_58 : memref<1024xf32, #tpu.memory_space<hbm>>) target_semaphore(%run_scoped3A : memref<!tpu.dma_semaphore, #tpu.memory_space<semaphore_mem>>)
      %dma_wait3A = arith.constant 0 : i32
      %dma_wait3A_59 = tpu.memref_slice %arg3[%min3A_19, %dma_wait3A] : memref<80x1024xf32, #tpu.memory_space<hbm>> -> memref<1x1024xf32, #tpu.memory_space<hbm>>
      %dma_wait3A_60 = tpu.memref_squeeze %dma_wait3A_59 : memref<1x1024xf32, #tpu.memory_space<hbm>> -> memref<1024xf32, #tpu.memory_space<hbm>>
      %dma_wait3A_61 = arith.constant 0 : i32
      %dma_wait3A_62 = tpu.memref_slice %arg3[%min3A_19, %dma_wait3A_61] : memref<80x1024xf32, #tpu.memory_space<hbm>> -> memref<1x1024xf32, #tpu.memory_space<hbm>>
      %dma_wait3A_63 = tpu.memref_squeeze %dma_wait3A_62 : memref<1x1024xf32, #tpu.memory_space<hbm>> -> memref<1024xf32, #tpu.memory_space<hbm>>
      tpu.wait_dma2 semaphore(%run_scoped3A : memref<!tpu.dma_semaphore, #tpu.memory_space<semaphore_mem>>) src(%arg7 : memref<1024xf32, #tpu.memory_space<vmem>>) dst(%dma_wait3A_63 : memref<1024xf32, #tpu.memory_space<hbm>>)
      tpu.yield
    }) : () -> ()
    "tpu.region"() ({
      %run_scoped3A = tpu.sem_alloc : memref<!tpu.dma_semaphore, #tpu.memory_space<semaphore_mem>>
      %dma_start3A = arith.constant 0 : i32
      %dma_start3A_54 = tpu.memref_slice %arg4[%min3A_19, %dma_start3A] : memref<80x1024xi32, #tpu.memory_space<hbm>> -> memref<1x1024xi32, #tpu.memory_space<hbm>>
      %dma_start3A_55 = tpu.memref_squeeze %dma_start3A_54 : memref<1x1024xi32, #tpu.memory_space<hbm>> -> memref<1024xi32, #tpu.memory_space<hbm>>
      %dma_start3A_56 = arith.constant 0 : i32
      %dma_start3A_57 = tpu.memref_slice %arg4[%min3A_19, %dma_start3A_56] : memref<80x1024xi32, #tpu.memory_space<hbm>> -> memref<1x1024xi32, #tpu.memory_space<hbm>>
      %dma_start3A_58 = tpu.memref_squeeze %dma_start3A_57 : memref<1x1024xi32, #tpu.memory_space<hbm>> -> memref<1024xi32, #tpu.memory_space<hbm>>
      tpu.enqueue_dma source(%arg8 : memref<1024xi32, #tpu.memory_space<vmem>>) target(%dma_start3A_58 : memref<1024xi32, #tpu.memory_space<hbm>>) target_semaphore(%run_scoped3A : memref<!tpu.dma_semaphore, #tpu.memory_space<semaphore_mem>>)
      %dma_wait3A = arith.constant 0 : i32
      %dma_wait3A_59 = tpu.memref_slice %arg4[%min3A_19, %dma_wait3A] : memref<80x1024xi32, #tpu.memory_space<hbm>> -> memref<1x1024xi32, #tpu.memory_space<hbm>>
      %dma_wait3A_60 = tpu.memref_squeeze %dma_wait3A_59 : memref<1x1024xi32, #tpu.memory_space<hbm>> -> memref<1024xi32, #tpu.memory_space<hbm>>
      %dma_wait3A_61 = arith.constant 0 : i32
      %dma_wait3A_62 = tpu.memref_slice %arg4[%min3A_19, %dma_wait3A_61] : memref<80x1024xi32, #tpu.memory_space<hbm>> -> memref<1x1024xi32, #tpu.memory_space<hbm>>
      %dma_wait3A_63 = tpu.memref_squeeze %dma_wait3A_62 : memref<1x1024xi32, #tpu.memory_space<hbm>> -> memref<1024xi32, #tpu.memory_space<hbm>>
      tpu.wait_dma2 semaphore(%run_scoped3A : memref<!tpu.dma_semaphore, #tpu.memory_space<semaphore_mem>>) src(%arg8 : memref<1024xi32, #tpu.memory_space<vmem>>) dst(%dma_wait3A_63 : memref<1024xi32, #tpu.memory_space<hbm>>)
      tpu.yield
    }) : () -> ()
    "tpu.region"() ({
      %run_scoped3A = tpu.sem_alloc : memref<!tpu.dma_semaphore, #tpu.memory_space<semaphore_mem>>
      %dma_start3A = arith.constant 0 : i32
      %dma_start3A_54 = tpu.memref_slice %arg5[%min3A_19, %dma_start3A] : memref<80x16xi32, #tpu.memory_space<hbm>> -> memref<1x16xi32, #tpu.memory_space<hbm>>
      %dma_start3A_55 = tpu.memref_squeeze %dma_start3A_54 : memref<1x16xi32, #tpu.memory_space<hbm>> -> memref<16xi32, #tpu.memory_space<hbm>>
      %dma_start3A_56 = arith.constant 0 : i32
      %dma_start3A_57 = tpu.memref_slice %arg5[%min3A_19, %dma_start3A_56] : memref<80x16xi32, #tpu.memory_space<hbm>> -> memref<1x16xi32, #tpu.memory_space<hbm>>
      %dma_start3A_58 = tpu.memref_squeeze %dma_start3A_57 : memref<1x16xi32, #tpu.memory_space<hbm>> -> memref<16xi32, #tpu.memory_space<hbm>>
      tpu.enqueue_dma source(%arg9 : memref<16xi32, #tpu.memory_space<vmem>>) target(%dma_start3A_58 : memref<16xi32, #tpu.memory_space<hbm>>) target_semaphore(%run_scoped3A : memref<!tpu.dma_semaphore, #tpu.memory_space<semaphore_mem>>)
      %dma_wait3A = arith.constant 0 : i32
      %dma_wait3A_59 = tpu.memref_slice %arg5[%min3A_19, %dma_wait3A] : memref<80x16xi32, #tpu.memory_space<hbm>> -> memref<1x16xi32, #tpu.memory_space<hbm>>
      %dma_wait3A_60 = tpu.memref_squeeze %dma_wait3A_59 : memref<1x16xi32, #tpu.memory_space<hbm>> -> memref<16xi32, #tpu.memory_space<hbm>>
      %dma_wait3A_61 = arith.constant 0 : i32
      %dma_wait3A_62 = tpu.memref_slice %arg5[%min3A_19, %dma_wait3A_61] : memref<80x16xi32, #tpu.memory_space<hbm>> -> memref<1x16xi32, #tpu.memory_space<hbm>>
      %dma_wait3A_63 = tpu.memref_squeeze %dma_wait3A_62 : memref<1x16xi32, #tpu.memory_space<hbm>> -> memref<16xi32, #tpu.memory_space<hbm>>
      tpu.wait_dma2 semaphore(%run_scoped3A : memref<!tpu.dma_semaphore, #tpu.memory_space<semaphore_mem>>) src(%arg9 : memref<16xi32, #tpu.memory_space<vmem>>) dst(%dma_wait3A_63 : memref<16xi32, #tpu.memory_space<hbm>>)
      tpu.yield
    }) : () -> ()
    %add3A_35 = arith.constant 64 : i32
    %add3A_36 = arith.addi %add3A, %add3A_35 : i32
    %min3A_37 = arith.constant 79 : i32
    %min3A_38 = arith.minsi %add3A_36, %min3A_37 : i32
    %add3A_39 = arith.constant 1 : i32
    %add3A_40 = arith.addi %min3A_38, %add3A_39 : i32
    "tpu.region"() ({
      %run_scoped3A = tpu.sem_alloc : memref<!tpu.dma_semaphore, #tpu.memory_space<semaphore_mem>>
      %dma_start3A = arith.constant 0 : i32
      %dma_start3A_54 = tpu.memref_slice %arg2[%add3A_40, %dma_start3A] : memref<81x20000xf32, #tpu.memory_space<hbm>> -> memref<1x20000xf32, #tpu.memory_space<hbm>>
      %dma_start3A_55 = tpu.memref_squeeze %dma_start3A_54 : memref<1x20000xf32, #tpu.memory_space<hbm>> -> memref<20000xf32, #tpu.memory_space<hbm>>
      %dma_start3A_56 = arith.constant 0 : i32
      %dma_start3A_57 = tpu.memref_slice %arg2[%add3A_40, %dma_start3A_56] : memref<81x20000xf32, #tpu.memory_space<hbm>> -> memref<1x20000xf32, #tpu.memory_space<hbm>>
      %dma_start3A_58 = tpu.memref_squeeze %dma_start3A_57 : memref<1x20000xf32, #tpu.memory_space<hbm>> -> memref<20000xf32, #tpu.memory_space<hbm>>
      tpu.enqueue_dma source(%dma_start3A_58 : memref<20000xf32, #tpu.memory_space<hbm>>) target(%arg6 : memref<20000xf32, #tpu.memory_space<vmem>>) target_semaphore(%run_scoped3A : memref<!tpu.dma_semaphore, #tpu.memory_space<semaphore_mem>>)
      %dma_wait3A = arith.constant 0 : i32
      %dma_wait3A_59 = tpu.memref_slice %arg2[%add3A_40, %dma_wait3A] : memref<81x20000xf32, #tpu.memory_space<hbm>> -> memref<1x20000xf32, #tpu.memory_space<hbm>>
      %dma_wait3A_60 = tpu.memref_squeeze %dma_wait3A_59 : memref<1x20000xf32, #tpu.memory_space<hbm>> -> memref<20000xf32, #tpu.memory_space<hbm>>
      %dma_wait3A_61 = arith.constant 0 : i32
      %dma_wait3A_62 = tpu.memref_slice %arg2[%add3A_40, %dma_wait3A_61] : memref<81x20000xf32, #tpu.memory_space<hbm>> -> memref<1x20000xf32, #tpu.memory_space<hbm>>
      %dma_wait3A_63 = tpu.memref_squeeze %dma_wait3A_62 : memref<1x20000xf32, #tpu.memory_space<hbm>> -> memref<20000xf32, #tpu.memory_space<hbm>>
      tpu.wait_dma2 semaphore(%run_scoped3A : memref<!tpu.dma_semaphore, #tpu.memory_space<semaphore_mem>>) src(%dma_wait3A_63 : memref<20000xf32, #tpu.memory_space<hbm>>) dst(%arg6 : memref<20000xf32, #tpu.memory_space<vmem>>)
      tpu.yield
    }) : () -> ()
    %scan3A_41 = arith.constant 0 : i32
    %scan3A_42 = arith.constant 0 : i32
    %scan3A_43 = arith.constant 1250 : i32
    %scan3A_44 = arith.addi %scan3A_42, %scan3A_43 : i32
    %scan3A_45 = arith.constant 1 : i32
    %scan3A_46 = scf.for %scan3A_54 = %scan3A_42 to %scan3A_44 step %scan3A_45 iter_args(%scan3A_55 = %scan3A_41) -> (i32)  : i32 {
      %mul3A_56 = arith.constant 16 : i32
      %mul3A_57 = arith.muli %scan3A_54, %mul3A_56 : i32
      %get3A = arith.index_cast %mul3A_57 : i32 to index
      %get3A_58 = tpu.vector_load %arg6[%get3A] {strides = array<i32>} : memref<20000xf32, #tpu.memory_space<vmem>>, vector<16xf32>,
      %mul3A_59 = arith.constant 16 : i32
      %mul3A_60 = arith.muli %scan3A_54, %mul3A_59 : i32
      %iota3A = tpu.iota {dimensions = array<i32: 0>} : vector<16xi32>
      %add3A_61 = vector.broadcast %mul3A_60 : i32 to vector<16xi32>
      %add3A_62 = arith.addi %add3A_61, %iota3A : vector<16xi32>
      %gt3A = arith.constant 5.000000e-02 : f32
      %gt3A_63 = vector.broadcast %gt3A : f32 to vector<16xf32>
      %gt3A_64 = arith.cmpf ogt, %get3A_58, %gt3A_63 : vector<16xf32>
      %jit3A = arith.constant 1 : i32
      %jit3A_65 = arith.constant 0 : i32
      %broadcast_in_dim3A_66 = vector.broadcast %jit3A : i32 to vector<16xi32>
      %broadcast_in_dim3A_67 = vector.broadcast %jit3A_65 : i32 to vector<16xi32>
      %select_n3A = arith.select %gt3A_64, %broadcast_in_dim3A_66, %broadcast_in_dim3A_67 : vector<16xi1>, vector<16xi32>
      %broadcast_in_dim3A_68 = arith.constant true
      %broadcast_in_dim3A_69 = vector.broadcast %broadcast_in_dim3A_68 : i1 to vector<16xi1>
      %masked_cumsum3A = tpu.scan <sum>, %select_n3A masked %broadcast_in_dim3A_69 : vector<16xi32>, vector<16xi1> -> vector<16xi32>
      %sub3A = arith.constant 1 : i32
      %sub3A_70 = vector.broadcast %sub3A : i32 to vector<16xi32>
      %sub3A_71 = arith.subi %masked_cumsum3A, %sub3A_70 : vector<16xi32>
      %add3A_72 = vector.broadcast %scan3A_55 : i32 to vector<16xi32>
      %add3A_73 = arith.addi %sub3A_71, %add3A_72 : vector<16xi32>
      %min3A_74 = arith.constant 1023 : i32
      %min3A_75 = vector.broadcast %min3A_74 : i32 to vector<16xi32>
      %min3A_76 = arith.minsi %add3A_73, %min3A_75 : vector<16xi32>
      tpu.vector_store_idx %arg7[%min3A_76], %get3A_58 masked %gt3A_64 : memref<1024xf32, #tpu.memory_space<vmem>>[vector<16xi32>], vector<16xf32>, vector<16xi1>
      tpu.vector_store_idx %arg8[%min3A_76], %add3A_62 masked %gt3A_64 : memref<1024xi32, #tpu.memory_space<vmem>>[vector<16xi32>], vector<16xi32>, vector<16xi1>
      %jit3A_77 = arith.constant 1.000000e+00 : f32
      %jit3A_78 = arith.constant 0.000000e+00 : f32
      %broadcast_in_dim3A_79 = vector.broadcast %jit3A_77 : f32 to vector<16xf32>
      %broadcast_in_dim3A_80 = vector.broadcast %jit3A_78 : f32 to vector<16xf32>
      %select_n3A_81 = arith.select %gt3A_64, %broadcast_in_dim3A_79, %broadcast_in_dim3A_80 : vector<16xi1>, vector<16xf32>
      %reduce_sum3A = arith.constant true
      %reduce_sum3A_82 = vector.broadcast %reduce_sum3A : i1 to vector<16xi1>
      %reduce_sum3A_83 = tpu.scan <sum>, %select_n3A_81 masked %reduce_sum3A_82 : vector<16xf32>, vector<16xi1> -> vector<16xf32>
      %reduce_sum3A_84 = vector.extract %reduce_sum3A_83[15] : f32 from vector<16xf32>
      %convert_element_type3A = arith.fptosi %reduce_sum3A_84 : f32 to i32
      %add3A_85 = arith.addi %scan3A_55, %convert_element_type3A : i32
      scf.yield %add3A_85 : i32
    }
    %scan3A_47 = arith.constant 1250 : i32
    %broadcast_in_dim3A_48 = arith.constant 1 : i32
    %broadcast_in_dim3A_49 = vector.broadcast %broadcast_in_dim3A_48 : i32 to vector<16xi32>
    %mul3A_50 = vector.broadcast %scan3A_46 : i32 to vector<16xi32>
    %mul3A_51 = arith.muli %broadcast_in_dim3A_49, %mul3A_50 : vector<16xi32>
    %swap3A_52 = arith.constant 0 : index
    %swap3A_53 = tpu.vector_load %arg9[%swap3A_52] {strides = array<i32>} : memref<16xi32, #tpu.memory_space<vmem>>, vector<16xi32>,
    tpu.vector_store %arg9[%swap3A_52], %mul3A_51 {strides = array<i32>} : memref<16xi32, #tpu.memory_space<vmem>>, vector<16xi32>,
    "tpu.region"() ({
      %run_scoped3A = tpu.sem_alloc : memref<!tpu.dma_semaphore, #tpu.memory_space<semaphore_mem>>
      %dma_start3A = arith.constant 0 : i32
      %dma_start3A_54 = tpu.memref_slice %arg3[%min3A_38, %dma_start3A] : memref<80x1024xf32, #tpu.memory_space<hbm>> -> memref<1x1024xf32, #tpu.memory_space<hbm>>
      %dma_start3A_55 = tpu.memref_squeeze %dma_start3A_54 : memref<1x1024xf32, #tpu.memory_space<hbm>> -> memref<1024xf32, #tpu.memory_space<hbm>>
      %dma_start3A_56 = arith.constant 0 : i32
      %dma_start3A_57 = tpu.memref_slice %arg3[%min3A_38, %dma_start3A_56] : memref<80x1024xf32, #tpu.memory_space<hbm>> -> memref<1x1024xf32, #tpu.memory_space<hbm>>
      %dma_start3A_58 = tpu.memref_squeeze %dma_start3A_57 : memref<1x1024xf32, #tpu.memory_space<hbm>> -> memref<1024xf32, #tpu.memory_space<hbm>>
      tpu.enqueue_dma source(%arg7 : memref<1024xf32, #tpu.memory_space<vmem>>) target(%dma_start3A_58 : memref<1024xf32, #tpu.memory_space<hbm>>) target_semaphore(%run_scoped3A : memref<!tpu.dma_semaphore, #tpu.memory_space<semaphore_mem>>)
      %dma_wait3A = arith.constant 0 : i32
      %dma_wait3A_59 = tpu.memref_slice %arg3[%min3A_38, %dma_wait3A] : memref<80x1024xf32, #tpu.memory_space<hbm>> -> memref<1x1024xf32, #tpu.memory_space<hbm>>
      %dma_wait3A_60 = tpu.memref_squeeze %dma_wait3A_59 : memref<1x1024xf32, #tpu.memory_space<hbm>> -> memref<1024xf32, #tpu.memory_space<hbm>>
      %dma_wait3A_61 = arith.constant 0 : i32
      %dma_wait3A_62 = tpu.memref_slice %arg3[%min3A_38, %dma_wait3A_61] : memref<80x1024xf32, #tpu.memory_space<hbm>> -> memref<1x1024xf32, #tpu.memory_space<hbm>>
      %dma_wait3A_63 = tpu.memref_squeeze %dma_wait3A_62 : memref<1x1024xf32, #tpu.memory_space<hbm>> -> memref<1024xf32, #tpu.memory_space<hbm>>
      tpu.wait_dma2 semaphore(%run_scoped3A : memref<!tpu.dma_semaphore, #tpu.memory_space<semaphore_mem>>) src(%arg7 : memref<1024xf32, #tpu.memory_space<vmem>>) dst(%dma_wait3A_63 : memref<1024xf32, #tpu.memory_space<hbm>>)
      tpu.yield
    }) : () -> ()
    "tpu.region"() ({
      %run_scoped3A = tpu.sem_alloc : memref<!tpu.dma_semaphore, #tpu.memory_space<semaphore_mem>>
      %dma_start3A = arith.constant 0 : i32
      %dma_start3A_54 = tpu.memref_slice %arg4[%min3A_38, %dma_start3A] : memref<80x1024xi32, #tpu.memory_space<hbm>> -> memref<1x1024xi32, #tpu.memory_space<hbm>>
      %dma_start3A_55 = tpu.memref_squeeze %dma_start3A_54 : memref<1x1024xi32, #tpu.memory_space<hbm>> -> memref<1024xi32, #tpu.memory_space<hbm>>
      %dma_start3A_56 = arith.constant 0 : i32
      %dma_start3A_57 = tpu.memref_slice %arg4[%min3A_38, %dma_start3A_56] : memref<80x1024xi32, #tpu.memory_space<hbm>> -> memref<1x1024xi32, #tpu.memory_space<hbm>>
      %dma_start3A_58 = tpu.memref_squeeze %dma_start3A_57 : memref<1x1024xi32, #tpu.memory_space<hbm>> -> memref<1024xi32, #tpu.memory_space<hbm>>
      tpu.enqueue_dma source(%arg8 : memref<1024xi32, #tpu.memory_space<vmem>>) target(%dma_start3A_58 : memref<1024xi32, #tpu.memory_space<hbm>>) target_semaphore(%run_scoped3A : memref<!tpu.dma_semaphore, #tpu.memory_space<semaphore_mem>>)
      %dma_wait3A = arith.constant 0 : i32
      %dma_wait3A_59 = tpu.memref_slice %arg4[%min3A_38, %dma_wait3A] : memref<80x1024xi32, #tpu.memory_space<hbm>> -> memref<1x1024xi32, #tpu.memory_space<hbm>>
      %dma_wait3A_60 = tpu.memref_squeeze %dma_wait3A_59 : memref<1x1024xi32, #tpu.memory_space<hbm>> -> memref<1024xi32, #tpu.memory_space<hbm>>
      %dma_wait3A_61 = arith.constant 0 : i32
      %dma_wait3A_62 = tpu.memref_slice %arg4[%min3A_38, %dma_wait3A_61] : memref<80x1024xi32, #tpu.memory_space<hbm>> -> memref<1x1024xi32, #tpu.memory_space<hbm>>
      %dma_wait3A_63 = tpu.memref_squeeze %dma_wait3A_62 : memref<1x1024xi32, #tpu.memory_space<hbm>> -> memref<1024xi32, #tpu.memory_space<hbm>>
      tpu.wait_dma2 semaphore(%run_scoped3A : memref<!tpu.dma_semaphore, #tpu.memory_space<semaphore_mem>>) src(%arg8 : memref<1024xi32, #tpu.memory_space<vmem>>) dst(%dma_wait3A_63 : memref<1024xi32, #tpu.memory_space<hbm>>)
      tpu.yield
    }) : () -> ()
    "tpu.region"() ({
      %run_scoped3A = tpu.sem_alloc : memref<!tpu.dma_semaphore, #tpu.memory_space<semaphore_mem>>
      %dma_start3A = arith.constant 0 : i32
      %dma_start3A_54 = tpu.memref_slice %arg5[%min3A_38, %dma_start3A] : memref<80x16xi32, #tpu.memory_space<hbm>> -> memref<1x16xi32, #tpu.memory_space<hbm>>
      %dma_start3A_55 = tpu.memref_squeeze %dma_start3A_54 : memref<1x16xi32, #tpu.memory_space<hbm>> -> memref<16xi32, #tpu.memory_space<hbm>>
      %dma_start3A_56 = arith.constant 0 : i32
      %dma_start3A_57 = tpu.memref_slice %arg5[%min3A_38, %dma_start3A_56] : memref<80x16xi32, #tpu.memory_space<hbm>> -> memref<1x16xi32, #tpu.memory_space<hbm>>
      %dma_start3A_58 = tpu.memref_squeeze %dma_start3A_57 : memref<1x16xi32, #tpu.memory_space<hbm>> -> memref<16xi32, #tpu.memory_space<hbm>>
      tpu.enqueue_dma source(%arg9 : memref<16xi32, #tpu.memory_space<vmem>>) target(%dma_start3A_58 : memref<16xi32, #tpu.memory_space<hbm>>) target_semaphore(%run_scoped3A : memref<!tpu.dma_semaphore, #tpu.memory_space<semaphore_mem>>)
      %dma_wait3A = arith.constant 0 : i32
      %dma_wait3A_59 = tpu.memref_slice %arg5[%min3A_38, %dma_wait3A] : memref<80x16xi32, #tpu.memory_space<hbm>> -> memref<1x16xi32, #tpu.memory_space<hbm>>
      %dma_wait3A_60 = tpu.memref_squeeze %dma_wait3A_59 : memref<1x16xi32, #tpu.memory_space<hbm>> -> memref<16xi32, #tpu.memory_space<hbm>>
      %dma_wait3A_61 = arith.constant 0 : i32
      %dma_wait3A_62 = tpu.memref_slice %arg5[%min3A_38, %dma_wait3A_61] : memref<80x16xi32, #tpu.memory_space<hbm>> -> memref<1x16xi32, #tpu.memory_space<hbm>>
      %dma_wait3A_63 = tpu.memref_squeeze %dma_wait3A_62 : memref<1x16xi32, #tpu.memory_space<hbm>> -> memref<16xi32, #tpu.memory_space<hbm>>
      tpu.wait_dma2 semaphore(%run_scoped3A : memref<!tpu.dma_semaphore, #tpu.memory_space<semaphore_mem>>) src(%arg9 : memref<16xi32, #tpu.memory_space<vmem>>) dst(%dma_wait3A_63 : memref<16xi32, #tpu.memory_space<hbm>>)
      tpu.yield
    }) : () -> ()
    return
  }
}

#map = affine_map<(d0, d1) -> (0, 0)>
#map1 = affine_map<(d0, d1) -> (0, 0, 0)>
#map2 = affine_map<(d0, d1) -> (0)>
module attributes {stable_mosaic.version = 14 : i64} {
  func.func @gather_kernel(%arg0: i32, %arg1: i32, %arg2: memref<405000x16xf32, #tpu.memory_space<hbm>>, %arg3: memref<5000x16xf32, #tpu.memory_space<hbm>>, %arg4: memref<32x4x128xi32, #tpu.memory_space<hbm>>, %arg5: memref<32x4x128xi32, #tpu.memory_space<hbm>>, %arg6: memref<32x512xi32, #tpu.memory_space<hbm>>, %arg7: memref<32x512xi32, #tpu.memory_space<hbm>>, %arg8: memref<16384xf32, #tpu.memory_space<hbm>>, %arg9: memref<16384xf32, #tpu.memory_space<hbm>>, %arg10: memref<16384xf32, #tpu.memory_space<hbm>>, %arg11: memref<16384xf32, #tpu.memory_space<hbm>>, %arg12: memref<16384xf32, #tpu.memory_space<hbm>>, %arg13: memref<16384xf32, #tpu.memory_space<hbm>>, %arg14: memref<16384xf32, #tpu.memory_space<hbm>>, %arg15: memref<16384xf32, #tpu.memory_space<hbm>>, %arg16: memref<4x128xi32, #tpu.memory_space<vmem>>, %arg17: memref<4x128xi32, #tpu.memory_space<vmem>>, %arg18: memref<512xi32, #tpu.memory_space<vmem>>, %arg19: memref<512xi32, #tpu.memory_space<vmem>>, %arg20: memref<512x16xf32, #tpu.memory_space<vmem>>, %arg21: memref<512x16xf32, #tpu.memory_space<vmem>>, %arg22: memref<512xf32, #tpu.memory_space<vmem>>, %arg23: memref<512xf32, #tpu.memory_space<vmem>>, %arg24: memref<512xf32, #tpu.memory_space<vmem>>, %arg25: memref<512xf32, #tpu.memory_space<vmem>>, %arg26: memref<512xf32, #tpu.memory_space<vmem>>, %arg27: memref<512xf32, #tpu.memory_space<vmem>>, %arg28: memref<512xf32, #tpu.memory_space<vmem>>, %arg29: memref<512xf32, #tpu.memory_space<vmem>>, %arg30: memref<!tpu.dma_semaphore, #tpu.memory_space<semaphore_mem>>) attributes {dimension_semantics = [#tpu.dimension_semantics<core_parallel>, #tpu.dimension_semantics<subcore_parallel>], iteration_bounds = array<i64: 2, 16>, scalar_prefetch = 0 : i64, scratch_operands = 15 : i64, tpu.core_type = #tpu.core_type<sc_vector_subcore>, window_params = [{transform_indices = #map}, {transform_indices = #map}, {transform_indices = #map1}, {transform_indices = #map1}, {transform_indices = #map}, {transform_indices = #map}, {transform_indices = #map2}, {transform_indices = #map2}, {transform_indices = #map2}, {transform_indices = #map2}, {transform_indices = #map2}, {transform_indices = #map2}, {transform_indices = #map2}, {transform_indices = #map2}]} {
    %mul3A = arith.constant 2 : i32
    %mul3A_0 = arith.muli %arg1, %mul3A : i32
    %add3A = arith.addi %mul3A_0, %arg0 : i32
    "tpu.region"() ({
      %run_scoped3A = tpu.sem_alloc : memref<!tpu.dma_semaphore, #tpu.memory_space<semaphore_mem>>
      %dma_start3A_166 = arith.constant 0 : i32
      %dma_start3A_167 = arith.constant 0 : i32
      %dma_start3A_168 = tpu.memref_slice %arg4[%add3A, %dma_start3A_166, %dma_start3A_167] : memref<32x4x128xi32, #tpu.memory_space<hbm>> -> memref<1x4x128xi32, #tpu.memory_space<hbm>>
      %dma_start3A_169 = tpu.memref_squeeze %dma_start3A_168 : memref<1x4x128xi32, #tpu.memory_space<hbm>> -> memref<4x128xi32, #tpu.memory_space<hbm>>
      %dma_start3A_170 = arith.constant 0 : i32
      %dma_start3A_171 = arith.constant 0 : i32
      %dma_start3A_172 = tpu.memref_slice %arg4[%add3A, %dma_start3A_170, %dma_start3A_171] : memref<32x4x128xi32, #tpu.memory_space<hbm>> -> memref<1x4x128xi32, #tpu.memory_space<hbm>>
      %dma_start3A_173 = tpu.memref_squeeze %dma_start3A_172 : memref<1x4x128xi32, #tpu.memory_space<hbm>> -> memref<4x128xi32, #tpu.memory_space<hbm>>
      tpu.enqueue_dma source(%dma_start3A_173 : memref<4x128xi32, #tpu.memory_space<hbm>>) target(%arg16 : memref<4x128xi32, #tpu.memory_space<vmem>>) target_semaphore(%run_scoped3A : memref<!tpu.dma_semaphore, #tpu.memory_space<semaphore_mem>>)
      %dma_wait3A_174 = arith.constant 0 : i32
      %dma_wait3A_175 = arith.constant 0 : i32
      %dma_wait3A_176 = tpu.memref_slice %arg4[%add3A, %dma_wait3A_174, %dma_wait3A_175] : memref<32x4x128xi32, #tpu.memory_space<hbm>> -> memref<1x4x128xi32, #tpu.memory_space<hbm>>
      %dma_wait3A_177 = tpu.memref_squeeze %dma_wait3A_176 : memref<1x4x128xi32, #tpu.memory_space<hbm>> -> memref<4x128xi32, #tpu.memory_space<hbm>>
      %dma_wait3A_178 = arith.constant 0 : i32
      %dma_wait3A_179 = arith.constant 0 : i32
      %dma_wait3A_180 = tpu.memref_slice %arg4[%add3A, %dma_wait3A_178, %dma_wait3A_179] : memref<32x4x128xi32, #tpu.memory_space<hbm>> -> memref<1x4x128xi32, #tpu.memory_space<hbm>>
      %dma_wait3A_181 = tpu.memref_squeeze %dma_wait3A_180 : memref<1x4x128xi32, #tpu.memory_space<hbm>> -> memref<4x128xi32, #tpu.memory_space<hbm>>
      tpu.wait_dma2 semaphore(%run_scoped3A : memref<!tpu.dma_semaphore, #tpu.memory_space<semaphore_mem>>) src(%dma_wait3A_181 : memref<4x128xi32, #tpu.memory_space<hbm>>) dst(%arg16 : memref<4x128xi32, #tpu.memory_space<vmem>>)
      tpu.yield
    }) : () -> ()
    "tpu.region"() ({
      %run_scoped3A = tpu.sem_alloc : memref<!tpu.dma_semaphore, #tpu.memory_space<semaphore_mem>>
      %dma_start3A_166 = arith.constant 0 : i32
      %dma_start3A_167 = arith.constant 0 : i32
      %dma_start3A_168 = tpu.memref_slice %arg5[%add3A, %dma_start3A_166, %dma_start3A_167] : memref<32x4x128xi32, #tpu.memory_space<hbm>> -> memref<1x4x128xi32, #tpu.memory_space<hbm>>
      %dma_start3A_169 = tpu.memref_squeeze %dma_start3A_168 : memref<1x4x128xi32, #tpu.memory_space<hbm>> -> memref<4x128xi32, #tpu.memory_space<hbm>>
      %dma_start3A_170 = arith.constant 0 : i32
      %dma_start3A_171 = arith.constant 0 : i32
      %dma_start3A_172 = tpu.memref_slice %arg5[%add3A, %dma_start3A_170, %dma_start3A_171] : memref<32x4x128xi32, #tpu.memory_space<hbm>> -> memref<1x4x128xi32, #tpu.memory_space<hbm>>
      %dma_start3A_173 = tpu.memref_squeeze %dma_start3A_172 : memref<1x4x128xi32, #tpu.memory_space<hbm>> -> memref<4x128xi32, #tpu.memory_space<hbm>>
      tpu.enqueue_dma source(%dma_start3A_173 : memref<4x128xi32, #tpu.memory_space<hbm>>) target(%arg17 : memref<4x128xi32, #tpu.memory_space<vmem>>) target_semaphore(%run_scoped3A : memref<!tpu.dma_semaphore, #tpu.memory_space<semaphore_mem>>)
      %dma_wait3A_174 = arith.constant 0 : i32
      %dma_wait3A_175 = arith.constant 0 : i32
      %dma_wait3A_176 = tpu.memref_slice %arg5[%add3A, %dma_wait3A_174, %dma_wait3A_175] : memref<32x4x128xi32, #tpu.memory_space<hbm>> -> memref<1x4x128xi32, #tpu.memory_space<hbm>>
      %dma_wait3A_177 = tpu.memref_squeeze %dma_wait3A_176 : memref<1x4x128xi32, #tpu.memory_space<hbm>> -> memref<4x128xi32, #tpu.memory_space<hbm>>
      %dma_wait3A_178 = arith.constant 0 : i32
      %dma_wait3A_179 = arith.constant 0 : i32
      %dma_wait3A_180 = tpu.memref_slice %arg5[%add3A, %dma_wait3A_178, %dma_wait3A_179] : memref<32x4x128xi32, #tpu.memory_space<hbm>> -> memref<1x4x128xi32, #tpu.memory_space<hbm>>
      %dma_wait3A_181 = tpu.memref_squeeze %dma_wait3A_180 : memref<1x4x128xi32, #tpu.memory_space<hbm>> -> memref<4x128xi32, #tpu.memory_space<hbm>>
      tpu.wait_dma2 semaphore(%run_scoped3A : memref<!tpu.dma_semaphore, #tpu.memory_space<semaphore_mem>>) src(%dma_wait3A_181 : memref<4x128xi32, #tpu.memory_space<hbm>>) dst(%arg17 : memref<4x128xi32, #tpu.memory_space<vmem>>)
      tpu.yield
    }) : () -> ()
    "tpu.region"() ({
      %run_scoped3A = tpu.sem_alloc : memref<!tpu.dma_semaphore, #tpu.memory_space<semaphore_mem>>
      %dma_start3A_166 = arith.constant 0 : i32
      %dma_start3A_167 = tpu.memref_slice %arg6[%add3A, %dma_start3A_166] : memref<32x512xi32, #tpu.memory_space<hbm>> -> memref<1x512xi32, #tpu.memory_space<hbm>>
      %dma_start3A_168 = tpu.memref_squeeze %dma_start3A_167 : memref<1x512xi32, #tpu.memory_space<hbm>> -> memref<512xi32, #tpu.memory_space<hbm>>
      %dma_start3A_169 = arith.constant 0 : i32
      %dma_start3A_170 = tpu.memref_slice %arg6[%add3A, %dma_start3A_169] : memref<32x512xi32, #tpu.memory_space<hbm>> -> memref<1x512xi32, #tpu.memory_space<hbm>>
      %dma_start3A_171 = tpu.memref_squeeze %dma_start3A_170 : memref<1x512xi32, #tpu.memory_space<hbm>> -> memref<512xi32, #tpu.memory_space<hbm>>
      tpu.enqueue_dma source(%dma_start3A_171 : memref<512xi32, #tpu.memory_space<hbm>>) target(%arg18 : memref<512xi32, #tpu.memory_space<vmem>>) target_semaphore(%run_scoped3A : memref<!tpu.dma_semaphore, #tpu.memory_space<semaphore_mem>>)
      %dma_wait3A_172 = arith.constant 0 : i32
      %dma_wait3A_173 = tpu.memref_slice %arg6[%add3A, %dma_wait3A_172] : memref<32x512xi32, #tpu.memory_space<hbm>> -> memref<1x512xi32, #tpu.memory_space<hbm>>
      %dma_wait3A_174 = tpu.memref_squeeze %dma_wait3A_173 : memref<1x512xi32, #tpu.memory_space<hbm>> -> memref<512xi32, #tpu.memory_space<hbm>>
      %dma_wait3A_175 = arith.constant 0 : i32
      %dma_wait3A_176 = tpu.memref_slice %arg6[%add3A, %dma_wait3A_175] : memref<32x512xi32, #tpu.memory_space<hbm>> -> memref<1x512xi32, #tpu.memory_space<hbm>>
      %dma_wait3A_177 = tpu.memref_squeeze %dma_wait3A_176 : memref<1x512xi32, #tpu.memory_space<hbm>> -> memref<512xi32, #tpu.memory_space<hbm>>
      tpu.wait_dma2 semaphore(%run_scoped3A : memref<!tpu.dma_semaphore, #tpu.memory_space<semaphore_mem>>) src(%dma_wait3A_177 : memref<512xi32, #tpu.memory_space<hbm>>) dst(%arg18 : memref<512xi32, #tpu.memory_space<vmem>>)
      tpu.yield
    }) : () -> ()
    "tpu.region"() ({
      %run_scoped3A = tpu.sem_alloc : memref<!tpu.dma_semaphore, #tpu.memory_space<semaphore_mem>>
      %dma_start3A_166 = arith.constant 0 : i32
      %dma_start3A_167 = tpu.memref_slice %arg7[%add3A, %dma_start3A_166] : memref<32x512xi32, #tpu.memory_space<hbm>> -> memref<1x512xi32, #tpu.memory_space<hbm>>
      %dma_start3A_168 = tpu.memref_squeeze %dma_start3A_167 : memref<1x512xi32, #tpu.memory_space<hbm>> -> memref<512xi32, #tpu.memory_space<hbm>>
      %dma_start3A_169 = arith.constant 0 : i32
      %dma_start3A_170 = tpu.memref_slice %arg7[%add3A, %dma_start3A_169] : memref<32x512xi32, #tpu.memory_space<hbm>> -> memref<1x512xi32, #tpu.memory_space<hbm>>
      %dma_start3A_171 = tpu.memref_squeeze %dma_start3A_170 : memref<1x512xi32, #tpu.memory_space<hbm>> -> memref<512xi32, #tpu.memory_space<hbm>>
      tpu.enqueue_dma source(%dma_start3A_171 : memref<512xi32, #tpu.memory_space<hbm>>) target(%arg19 : memref<512xi32, #tpu.memory_space<vmem>>) target_semaphore(%run_scoped3A : memref<!tpu.dma_semaphore, #tpu.memory_space<semaphore_mem>>)
      %dma_wait3A_172 = arith.constant 0 : i32
      %dma_wait3A_173 = tpu.memref_slice %arg7[%add3A, %dma_wait3A_172] : memref<32x512xi32, #tpu.memory_space<hbm>> -> memref<1x512xi32, #tpu.memory_space<hbm>>
      %dma_wait3A_174 = tpu.memref_squeeze %dma_wait3A_173 : memref<1x512xi32, #tpu.memory_space<hbm>> -> memref<512xi32, #tpu.memory_space<hbm>>
      %dma_wait3A_175 = arith.constant 0 : i32
      %dma_wait3A_176 = tpu.memref_slice %arg7[%add3A, %dma_wait3A_175] : memref<32x512xi32, #tpu.memory_space<hbm>> -> memref<1x512xi32, #tpu.memory_space<hbm>>
      %dma_wait3A_177 = tpu.memref_squeeze %dma_wait3A_176 : memref<1x512xi32, #tpu.memory_space<hbm>> -> memref<512xi32, #tpu.memory_space<hbm>>
      tpu.wait_dma2 semaphore(%run_scoped3A : memref<!tpu.dma_semaphore, #tpu.memory_space<semaphore_mem>>) src(%dma_wait3A_177 : memref<512xi32, #tpu.memory_space<hbm>>) dst(%arg19 : memref<512xi32, #tpu.memory_space<vmem>>)
      tpu.yield
    }) : () -> ()
    %dma_start3A = arith.constant 0 : i32
    %dma_start3A_1 = arith.constant 0 : i32
    %dma_start3A_2 = arith.constant 0 : i32
    %dma_start3A_3 = tpu.memref_slice %arg20[%dma_start3A_1, %dma_start3A_2] : memref<512x16xf32, #tpu.memory_space<vmem>> -> memref<128x16xf32, #tpu.memory_space<vmem>>
    %dma_start3A_4 = arith.constant 0 : i32
    %dma_start3A_5 = tpu.memref_slice %arg16[%dma_start3A, %dma_start3A_4] : memref<4x128xi32, #tpu.memory_space<vmem>> -> memref<1x128xi32, #tpu.memory_space<vmem>>
    %dma_start3A_6 = tpu.memref_squeeze %dma_start3A_5 : memref<1x128xi32, #tpu.memory_space<vmem>> -> memref<128xi32, #tpu.memory_space<vmem>>
    %dma_start3A_7 = arith.constant 0 : i32
    %dma_start3A_8 = arith.constant 0 : i32
    %dma_start3A_9 = tpu.memref_slice %arg2[%dma_start3A_7, %dma_start3A_8] : memref<405000x16xf32, #tpu.memory_space<hbm>> -> memref<405000x16xf32, #tpu.memory_space<hbm>>
    tpu.enqueue_indirect_dma source(%dma_start3A_9 : memref<405000x16xf32, #tpu.memory_space<hbm>>) target(%dma_start3A_3 : memref<128x16xf32, #tpu.memory_space<vmem>>) offsets(%dma_start3A_6 : memref<128xi32, #tpu.memory_space<vmem>>) semaphore(%arg30 : memref<!tpu.dma_semaphore, #tpu.memory_space<semaphore_mem>>)
    %dma_wait3A = arith.constant 0 : i32
    %dma_wait3A_10 = arith.constant 0 : i32
    %dma_wait3A_11 = arith.constant 0 : i32
    %dma_wait3A_12 = tpu.memref_slice %arg20[%dma_wait3A_10, %dma_wait3A_11] : memref<512x16xf32, #tpu.memory_space<vmem>> -> memref<128x16xf32, #tpu.memory_space<vmem>>
    %dma_wait3A_13 = arith.constant 0 : i32
    %dma_wait3A_14 = tpu.memref_slice %arg16[%dma_wait3A, %dma_wait3A_13] : memref<4x128xi32, #tpu.memory_space<vmem>> -> memref<1x128xi32, #tpu.memory_space<vmem>>
    %dma_wait3A_15 = tpu.memref_squeeze %dma_wait3A_14 : memref<1x128xi32, #tpu.memory_space<vmem>> -> memref<128xi32, #tpu.memory_space<vmem>>
    %dma_wait3A_16 = arith.constant 0 : i32
    %dma_wait3A_17 = arith.constant 0 : i32
    %dma_wait3A_18 = tpu.memref_slice %arg2[%dma_wait3A_16, %dma_wait3A_17] : memref<405000x16xf32, #tpu.memory_space<hbm>> -> memref<405000x16xf32, #tpu.memory_space<hbm>>
    tpu.wait_indirect_dma semaphore(%arg30 : memref<!tpu.dma_semaphore, #tpu.memory_space<semaphore_mem>>) src(%dma_wait3A_18 : memref<405000x16xf32, #tpu.memory_space<hbm>>) dst(%dma_wait3A_12 : memref<128x16xf32, #tpu.memory_space<vmem>>)
    %dma_start3A_19 = arith.constant 0 : i32
    %dma_start3A_20 = arith.constant 0 : i32
    %dma_start3A_21 = arith.constant 0 : i32
    %dma_start3A_22 = tpu.memref_slice %arg21[%dma_start3A_20, %dma_start3A_21] : memref<512x16xf32, #tpu.memory_space<vmem>> -> memref<128x16xf32, #tpu.memory_space<vmem>>
    %dma_start3A_23 = arith.constant 0 : i32
    %dma_start3A_24 = tpu.memref_slice %arg17[%dma_start3A_19, %dma_start3A_23] : memref<4x128xi32, #tpu.memory_space<vmem>> -> memref<1x128xi32, #tpu.memory_space<vmem>>
    %dma_start3A_25 = tpu.memref_squeeze %dma_start3A_24 : memref<1x128xi32, #tpu.memory_space<vmem>> -> memref<128xi32, #tpu.memory_space<vmem>>
    %dma_start3A_26 = arith.constant 0 : i32
    %dma_start3A_27 = arith.constant 0 : i32
    %dma_start3A_28 = tpu.memref_slice %arg3[%dma_start3A_26, %dma_start3A_27] : memref<5000x16xf32, #tpu.memory_space<hbm>> -> memref<5000x16xf32, #tpu.memory_space<hbm>>
    tpu.enqueue_indirect_dma source(%dma_start3A_28 : memref<5000x16xf32, #tpu.memory_space<hbm>>) target(%dma_start3A_22 : memref<128x16xf32, #tpu.memory_space<vmem>>) offsets(%dma_start3A_25 : memref<128xi32, #tpu.memory_space<vmem>>) semaphore(%arg30 : memref<!tpu.dma_semaphore, #tpu.memory_space<semaphore_mem>>)
    %dma_wait3A_29 = arith.constant 0 : i32
    %dma_wait3A_30 = arith.constant 0 : i32
    %dma_wait3A_31 = arith.constant 0 : i32
    %dma_wait3A_32 = tpu.memref_slice %arg21[%dma_wait3A_30, %dma_wait3A_31] : memref<512x16xf32, #tpu.memory_space<vmem>> -> memref<128x16xf32, #tpu.memory_space<vmem>>
    %dma_wait3A_33 = arith.constant 0 : i32
    %dma_wait3A_34 = tpu.memref_slice %arg17[%dma_wait3A_29, %dma_wait3A_33] : memref<4x128xi32, #tpu.memory_space<vmem>> -> memref<1x128xi32, #tpu.memory_space<vmem>>
    %dma_wait3A_35 = tpu.memref_squeeze %dma_wait3A_34 : memref<1x128xi32, #tpu.memory_space<vmem>> -> memref<128xi32, #tpu.memory_space<vmem>>
    %dma_wait3A_36 = arith.constant 0 : i32
    %dma_wait3A_37 = arith.constant 0 : i32
    %dma_wait3A_38 = tpu.memref_slice %arg3[%dma_wait3A_36, %dma_wait3A_37] : memref<5000x16xf32, #tpu.memory_space<hbm>> -> memref<5000x16xf32, #tpu.memory_space<hbm>>
    tpu.wait_indirect_dma semaphore(%arg30 : memref<!tpu.dma_semaphore, #tpu.memory_space<semaphore_mem>>) src(%dma_wait3A_38 : memref<5000x16xf32, #tpu.memory_space<hbm>>) dst(%dma_wait3A_32 : memref<128x16xf32, #tpu.memory_space<vmem>>)
    %dma_start3A_39 = arith.constant 1 : i32
    %dma_start3A_40 = arith.constant 128 : i32
    %dma_start3A_41 = arith.constant 0 : i32
    %dma_start3A_42 = tpu.memref_slice %arg20[%dma_start3A_40, %dma_start3A_41] : memref<512x16xf32, #tpu.memory_space<vmem>> -> memref<128x16xf32, #tpu.memory_space<vmem>>
    %dma_start3A_43 = arith.constant 0 : i32
    %dma_start3A_44 = tpu.memref_slice %arg16[%dma_start3A_39, %dma_start3A_43] : memref<4x128xi32, #tpu.memory_space<vmem>> -> memref<1x128xi32, #tpu.memory_space<vmem>>
    %dma_start3A_45 = tpu.memref_squeeze %dma_start3A_44 : memref<1x128xi32, #tpu.memory_space<vmem>> -> memref<128xi32, #tpu.memory_space<vmem>>
    %dma_start3A_46 = arith.constant 0 : i32
    %dma_start3A_47 = arith.constant 0 : i32
    %dma_start3A_48 = tpu.memref_slice %arg2[%dma_start3A_46, %dma_start3A_47] : memref<405000x16xf32, #tpu.memory_space<hbm>> -> memref<405000x16xf32, #tpu.memory_space<hbm>>
    tpu.enqueue_indirect_dma source(%dma_start3A_48 : memref<405000x16xf32, #tpu.memory_space<hbm>>) target(%dma_start3A_42 : memref<128x16xf32, #tpu.memory_space<vmem>>) offsets(%dma_start3A_45 : memref<128xi32, #tpu.memory_space<vmem>>) semaphore(%arg30 : memref<!tpu.dma_semaphore, #tpu.memory_space<semaphore_mem>>)
    %dma_wait3A_49 = arith.constant 1 : i32
    %dma_wait3A_50 = arith.constant 128 : i32
    %dma_wait3A_51 = arith.constant 0 : i32
    %dma_wait3A_52 = tpu.memref_slice %arg20[%dma_wait3A_50, %dma_wait3A_51] : memref<512x16xf32, #tpu.memory_space<vmem>> -> memref<128x16xf32, #tpu.memory_space<vmem>>
    %dma_wait3A_53 = arith.constant 0 : i32
    %dma_wait3A_54 = tpu.memref_slice %arg16[%dma_wait3A_49, %dma_wait3A_53] : memref<4x128xi32, #tpu.memory_space<vmem>> -> memref<1x128xi32, #tpu.memory_space<vmem>>
    %dma_wait3A_55 = tpu.memref_squeeze %dma_wait3A_54 : memref<1x128xi32, #tpu.memory_space<vmem>> -> memref<128xi32, #tpu.memory_space<vmem>>
    %dma_wait3A_56 = arith.constant 0 : i32
    %dma_wait3A_57 = arith.constant 0 : i32
    %dma_wait3A_58 = tpu.memref_slice %arg2[%dma_wait3A_56, %dma_wait3A_57] : memref<405000x16xf32, #tpu.memory_space<hbm>> -> memref<405000x16xf32, #tpu.memory_space<hbm>>
    tpu.wait_indirect_dma semaphore(%arg30 : memref<!tpu.dma_semaphore, #tpu.memory_space<semaphore_mem>>) src(%dma_wait3A_58 : memref<405000x16xf32, #tpu.memory_space<hbm>>) dst(%dma_wait3A_52 : memref<128x16xf32, #tpu.memory_space<vmem>>)
    %dma_start3A_59 = arith.constant 1 : i32
    %dma_start3A_60 = arith.constant 128 : i32
    %dma_start3A_61 = arith.constant 0 : i32
    %dma_start3A_62 = tpu.memref_slice %arg21[%dma_start3A_60, %dma_start3A_61] : memref<512x16xf32, #tpu.memory_space<vmem>> -> memref<128x16xf32, #tpu.memory_space<vmem>>
    %dma_start3A_63 = arith.constant 0 : i32
    %dma_start3A_64 = tpu.memref_slice %arg17[%dma_start3A_59, %dma_start3A_63] : memref<4x128xi32, #tpu.memory_space<vmem>> -> memref<1x128xi32, #tpu.memory_space<vmem>>
    %dma_start3A_65 = tpu.memref_squeeze %dma_start3A_64 : memref<1x128xi32, #tpu.memory_space<vmem>> -> memref<128xi32, #tpu.memory_space<vmem>>
    %dma_start3A_66 = arith.constant 0 : i32
    %dma_start3A_67 = arith.constant 0 : i32
    %dma_start3A_68 = tpu.memref_slice %arg3[%dma_start3A_66, %dma_start3A_67] : memref<5000x16xf32, #tpu.memory_space<hbm>> -> memref<5000x16xf32, #tpu.memory_space<hbm>>
    tpu.enqueue_indirect_dma source(%dma_start3A_68 : memref<5000x16xf32, #tpu.memory_space<hbm>>) target(%dma_start3A_62 : memref<128x16xf32, #tpu.memory_space<vmem>>) offsets(%dma_start3A_65 : memref<128xi32, #tpu.memory_space<vmem>>) semaphore(%arg30 : memref<!tpu.dma_semaphore, #tpu.memory_space<semaphore_mem>>)
    %dma_wait3A_69 = arith.constant 1 : i32
    %dma_wait3A_70 = arith.constant 128 : i32
    %dma_wait3A_71 = arith.constant 0 : i32
    %dma_wait3A_72 = tpu.memref_slice %arg21[%dma_wait3A_70, %dma_wait3A_71] : memref<512x16xf32, #tpu.memory_space<vmem>> -> memref<128x16xf32, #tpu.memory_space<vmem>>
    %dma_wait3A_73 = arith.constant 0 : i32
    %dma_wait3A_74 = tpu.memref_slice %arg17[%dma_wait3A_69, %dma_wait3A_73] : memref<4x128xi32, #tpu.memory_space<vmem>> -> memref<1x128xi32, #tpu.memory_space<vmem>>
    %dma_wait3A_75 = tpu.memref_squeeze %dma_wait3A_74 : memref<1x128xi32, #tpu.memory_space<vmem>> -> memref<128xi32, #tpu.memory_space<vmem>>
    %dma_wait3A_76 = arith.constant 0 : i32
    %dma_wait3A_77 = arith.constant 0 : i32
    %dma_wait3A_78 = tpu.memref_slice %arg3[%dma_wait3A_76, %dma_wait3A_77] : memref<5000x16xf32, #tpu.memory_space<hbm>> -> memref<5000x16xf32, #tpu.memory_space<hbm>>
    tpu.wait_indirect_dma semaphore(%arg30 : memref<!tpu.dma_semaphore, #tpu.memory_space<semaphore_mem>>) src(%dma_wait3A_78 : memref<5000x16xf32, #tpu.memory_space<hbm>>) dst(%dma_wait3A_72 : memref<128x16xf32, #tpu.memory_space<vmem>>)
    %dma_start3A_79 = arith.constant 2 : i32
    %dma_start3A_80 = arith.constant 256 : i32
    %dma_start3A_81 = arith.constant 0 : i32
    %dma_start3A_82 = tpu.memref_slice %arg20[%dma_start3A_80, %dma_start3A_81] : memref<512x16xf32, #tpu.memory_space<vmem>> -> memref<128x16xf32, #tpu.memory_space<vmem>>
    %dma_start3A_83 = arith.constant 0 : i32
    %dma_start3A_84 = tpu.memref_slice %arg16[%dma_start3A_79, %dma_start3A_83] : memref<4x128xi32, #tpu.memory_space<vmem>> -> memref<1x128xi32, #tpu.memory_space<vmem>>
    %dma_start3A_85 = tpu.memref_squeeze %dma_start3A_84 : memref<1x128xi32, #tpu.memory_space<vmem>> -> memref<128xi32, #tpu.memory_space<vmem>>
    %dma_start3A_86 = arith.constant 0 : i32
    %dma_start3A_87 = arith.constant 0 : i32
    %dma_start3A_88 = tpu.memref_slice %arg2[%dma_start3A_86, %dma_start3A_87] : memref<405000x16xf32, #tpu.memory_space<hbm>> -> memref<405000x16xf32, #tpu.memory_space<hbm>>
    tpu.enqueue_indirect_dma source(%dma_start3A_88 : memref<405000x16xf32, #tpu.memory_space<hbm>>) target(%dma_start3A_82 : memref<128x16xf32, #tpu.memory_space<vmem>>) offsets(%dma_start3A_85 : memref<128xi32, #tpu.memory_space<vmem>>) semaphore(%arg30 : memref<!tpu.dma_semaphore, #tpu.memory_space<semaphore_mem>>)
    %dma_wait3A_89 = arith.constant 2 : i32
    %dma_wait3A_90 = arith.constant 256 : i32
    %dma_wait3A_91 = arith.constant 0 : i32
    %dma_wait3A_92 = tpu.memref_slice %arg20[%dma_wait3A_90, %dma_wait3A_91] : memref<512x16xf32, #tpu.memory_space<vmem>> -> memref<128x16xf32, #tpu.memory_space<vmem>>
    %dma_wait3A_93 = arith.constant 0 : i32
    %dma_wait3A_94 = tpu.memref_slice %arg16[%dma_wait3A_89, %dma_wait3A_93] : memref<4x128xi32, #tpu.memory_space<vmem>> -> memref<1x128xi32, #tpu.memory_space<vmem>>
    %dma_wait3A_95 = tpu.memref_squeeze %dma_wait3A_94 : memref<1x128xi32, #tpu.memory_space<vmem>> -> memref<128xi32, #tpu.memory_space<vmem>>
    %dma_wait3A_96 = arith.constant 0 : i32
    %dma_wait3A_97 = arith.constant 0 : i32
    %dma_wait3A_98 = tpu.memref_slice %arg2[%dma_wait3A_96, %dma_wait3A_97] : memref<405000x16xf32, #tpu.memory_space<hbm>> -> memref<405000x16xf32, #tpu.memory_space<hbm>>
    tpu.wait_indirect_dma semaphore(%arg30 : memref<!tpu.dma_semaphore, #tpu.memory_space<semaphore_mem>>) src(%dma_wait3A_98 : memref<405000x16xf32, #tpu.memory_space<hbm>>) dst(%dma_wait3A_92 : memref<128x16xf32, #tpu.memory_space<vmem>>)
    %dma_start3A_99 = arith.constant 2 : i32
    %dma_start3A_100 = arith.constant 256 : i32
    %dma_start3A_101 = arith.constant 0 : i32
    %dma_start3A_102 = tpu.memref_slice %arg21[%dma_start3A_100, %dma_start3A_101] : memref<512x16xf32, #tpu.memory_space<vmem>> -> memref<128x16xf32, #tpu.memory_space<vmem>>
    %dma_start3A_103 = arith.constant 0 : i32
    %dma_start3A_104 = tpu.memref_slice %arg17[%dma_start3A_99, %dma_start3A_103] : memref<4x128xi32, #tpu.memory_space<vmem>> -> memref<1x128xi32, #tpu.memory_space<vmem>>
    %dma_start3A_105 = tpu.memref_squeeze %dma_start3A_104 : memref<1x128xi32, #tpu.memory_space<vmem>> -> memref<128xi32, #tpu.memory_space<vmem>>
    %dma_start3A_106 = arith.constant 0 : i32
    %dma_start3A_107 = arith.constant 0 : i32
    %dma_start3A_108 = tpu.memref_slice %arg3[%dma_start3A_106, %dma_start3A_107] : memref<5000x16xf32, #tpu.memory_space<hbm>> -> memref<5000x16xf32, #tpu.memory_space<hbm>>
    tpu.enqueue_indirect_dma source(%dma_start3A_108 : memref<5000x16xf32, #tpu.memory_space<hbm>>) target(%dma_start3A_102 : memref<128x16xf32, #tpu.memory_space<vmem>>) offsets(%dma_start3A_105 : memref<128xi32, #tpu.memory_space<vmem>>) semaphore(%arg30 : memref<!tpu.dma_semaphore, #tpu.memory_space<semaphore_mem>>)
    %dma_wait3A_109 = arith.constant 2 : i32
    %dma_wait3A_110 = arith.constant 256 : i32
    %dma_wait3A_111 = arith.constant 0 : i32
    %dma_wait3A_112 = tpu.memref_slice %arg21[%dma_wait3A_110, %dma_wait3A_111] : memref<512x16xf32, #tpu.memory_space<vmem>> -> memref<128x16xf32, #tpu.memory_space<vmem>>
    %dma_wait3A_113 = arith.constant 0 : i32
    %dma_wait3A_114 = tpu.memref_slice %arg17[%dma_wait3A_109, %dma_wait3A_113] : memref<4x128xi32, #tpu.memory_space<vmem>> -> memref<1x128xi32, #tpu.memory_space<vmem>>
    %dma_wait3A_115 = tpu.memref_squeeze %dma_wait3A_114 : memref<1x128xi32, #tpu.memory_space<vmem>> -> memref<128xi32, #tpu.memory_space<vmem>>
    %dma_wait3A_116 = arith.constant 0 : i32
    %dma_wait3A_117 = arith.constant 0 : i32
    %dma_wait3A_118 = tpu.memref_slice %arg3[%dma_wait3A_116, %dma_wait3A_117] : memref<5000x16xf32, #tpu.memory_space<hbm>> -> memref<5000x16xf32, #tpu.memory_space<hbm>>
    tpu.wait_indirect_dma semaphore(%arg30 : memref<!tpu.dma_semaphore, #tpu.memory_space<semaphore_mem>>) src(%dma_wait3A_118 : memref<5000x16xf32, #tpu.memory_space<hbm>>) dst(%dma_wait3A_112 : memref<128x16xf32, #tpu.memory_space<vmem>>)
    %dma_start3A_119 = arith.constant 3 : i32
    %dma_start3A_120 = arith.constant 384 : i32
    %dma_start3A_121 = arith.constant 0 : i32
    %dma_start3A_122 = tpu.memref_slice %arg20[%dma_start3A_120, %dma_start3A_121] : memref<512x16xf32, #tpu.memory_space<vmem>> -> memref<128x16xf32, #tpu.memory_space<vmem>>
    %dma_start3A_123 = arith.constant 0 : i32
    %dma_start3A_124 = tpu.memref_slice %arg16[%dma_start3A_119, %dma_start3A_123] : memref<4x128xi32, #tpu.memory_space<vmem>> -> memref<1x128xi32, #tpu.memory_space<vmem>>
    %dma_start3A_125 = tpu.memref_squeeze %dma_start3A_124 : memref<1x128xi32, #tpu.memory_space<vmem>> -> memref<128xi32, #tpu.memory_space<vmem>>
    %dma_start3A_126 = arith.constant 0 : i32
    %dma_start3A_127 = arith.constant 0 : i32
    %dma_start3A_128 = tpu.memref_slice %arg2[%dma_start3A_126, %dma_start3A_127] : memref<405000x16xf32, #tpu.memory_space<hbm>> -> memref<405000x16xf32, #tpu.memory_space<hbm>>
    tpu.enqueue_indirect_dma source(%dma_start3A_128 : memref<405000x16xf32, #tpu.memory_space<hbm>>) target(%dma_start3A_122 : memref<128x16xf32, #tpu.memory_space<vmem>>) offsets(%dma_start3A_125 : memref<128xi32, #tpu.memory_space<vmem>>) semaphore(%arg30 : memref<!tpu.dma_semaphore, #tpu.memory_space<semaphore_mem>>)
    %dma_wait3A_129 = arith.constant 3 : i32
    %dma_wait3A_130 = arith.constant 384 : i32
    %dma_wait3A_131 = arith.constant 0 : i32
    %dma_wait3A_132 = tpu.memref_slice %arg20[%dma_wait3A_130, %dma_wait3A_131] : memref<512x16xf32, #tpu.memory_space<vmem>> -> memref<128x16xf32, #tpu.memory_space<vmem>>
    %dma_wait3A_133 = arith.constant 0 : i32
    %dma_wait3A_134 = tpu.memref_slice %arg16[%dma_wait3A_129, %dma_wait3A_133] : memref<4x128xi32, #tpu.memory_space<vmem>> -> memref<1x128xi32, #tpu.memory_space<vmem>>
    %dma_wait3A_135 = tpu.memref_squeeze %dma_wait3A_134 : memref<1x128xi32, #tpu.memory_space<vmem>> -> memref<128xi32, #tpu.memory_space<vmem>>
    %dma_wait3A_136 = arith.constant 0 : i32
    %dma_wait3A_137 = arith.constant 0 : i32
    %dma_wait3A_138 = tpu.memref_slice %arg2[%dma_wait3A_136, %dma_wait3A_137] : memref<405000x16xf32, #tpu.memory_space<hbm>> -> memref<405000x16xf32, #tpu.memory_space<hbm>>
    tpu.wait_indirect_dma semaphore(%arg30 : memref<!tpu.dma_semaphore, #tpu.memory_space<semaphore_mem>>) src(%dma_wait3A_138 : memref<405000x16xf32, #tpu.memory_space<hbm>>) dst(%dma_wait3A_132 : memref<128x16xf32, #tpu.memory_space<vmem>>)
    %dma_start3A_139 = arith.constant 3 : i32
    %dma_start3A_140 = arith.constant 384 : i32
    %dma_start3A_141 = arith.constant 0 : i32
    %dma_start3A_142 = tpu.memref_slice %arg21[%dma_start3A_140, %dma_start3A_141] : memref<512x16xf32, #tpu.memory_space<vmem>> -> memref<128x16xf32, #tpu.memory_space<vmem>>
    %dma_start3A_143 = arith.constant 0 : i32
    %dma_start3A_144 = tpu.memref_slice %arg17[%dma_start3A_139, %dma_start3A_143] : memref<4x128xi32, #tpu.memory_space<vmem>> -> memref<1x128xi32, #tpu.memory_space<vmem>>
    %dma_start3A_145 = tpu.memref_squeeze %dma_start3A_144 : memref<1x128xi32, #tpu.memory_space<vmem>> -> memref<128xi32, #tpu.memory_space<vmem>>
    %dma_start3A_146 = arith.constant 0 : i32
    %dma_start3A_147 = arith.constant 0 : i32
    %dma_start3A_148 = tpu.memref_slice %arg3[%dma_start3A_146, %dma_start3A_147] : memref<5000x16xf32, #tpu.memory_space<hbm>> -> memref<5000x16xf32, #tpu.memory_space<hbm>>
    tpu.enqueue_indirect_dma source(%dma_start3A_148 : memref<5000x16xf32, #tpu.memory_space<hbm>>) target(%dma_start3A_142 : memref<128x16xf32, #tpu.memory_space<vmem>>) offsets(%dma_start3A_145 : memref<128xi32, #tpu.memory_space<vmem>>) semaphore(%arg30 : memref<!tpu.dma_semaphore, #tpu.memory_space<semaphore_mem>>)
    %dma_wait3A_149 = arith.constant 3 : i32
    %dma_wait3A_150 = arith.constant 384 : i32
    %dma_wait3A_151 = arith.constant 0 : i32
    %dma_wait3A_152 = tpu.memref_slice %arg21[%dma_wait3A_150, %dma_wait3A_151] : memref<512x16xf32, #tpu.memory_space<vmem>> -> memref<128x16xf32, #tpu.memory_space<vmem>>
    %dma_wait3A_153 = arith.constant 0 : i32
    %dma_wait3A_154 = tpu.memref_slice %arg17[%dma_wait3A_149, %dma_wait3A_153] : memref<4x128xi32, #tpu.memory_space<vmem>> -> memref<1x128xi32, #tpu.memory_space<vmem>>
    %dma_wait3A_155 = tpu.memref_squeeze %dma_wait3A_154 : memref<1x128xi32, #tpu.memory_space<vmem>> -> memref<128xi32, #tpu.memory_space<vmem>>
    %dma_wait3A_156 = arith.constant 0 : i32
    %dma_wait3A_157 = arith.constant 0 : i32
    %dma_wait3A_158 = tpu.memref_slice %arg3[%dma_wait3A_156, %dma_wait3A_157] : memref<5000x16xf32, #tpu.memory_space<hbm>> -> memref<5000x16xf32, #tpu.memory_space<hbm>>
    tpu.wait_indirect_dma semaphore(%arg30 : memref<!tpu.dma_semaphore, #tpu.memory_space<semaphore_mem>>) src(%dma_wait3A_158 : memref<5000x16xf32, #tpu.memory_space<hbm>>) dst(%dma_wait3A_152 : memref<128x16xf32, #tpu.memory_space<vmem>>)
    %scan3A = arith.constant 0 : i32
    %scan3A_159 = arith.constant 0 : i32
    %scan3A_160 = arith.constant 32 : i32
    %scan3A_161 = arith.addi %scan3A_159, %scan3A_160 : i32
    %scan3A_162 = arith.constant 1 : i32
    scf.for %scan3A_166 = %scan3A_159 to %scan3A_161 step %scan3A_162  : i32 {
      %mul3A_167 = arith.constant 16 : i32
      %mul3A_168 = arith.muli %scan3A_166, %mul3A_167 : i32
      %mul3A_169 = arith.constant 16 : i32
      %mul3A_170 = arith.muli %scan3A_166, %mul3A_169 : i32
      %iota3A = tpu.iota {dimensions = array<i32: 0>} : vector<16xi32>
      %add3A_171 = vector.broadcast %mul3A_170 : i32 to vector<16xi32>
      %add3A_172 = arith.addi %add3A_171, %iota3A : vector<16xi32>
      %get3A = arith.index_cast %mul3A_168 : i32 to index
      %get3A_173 = tpu.vector_load %arg18[%get3A] {strides = array<i32>} : memref<512xi32, #tpu.memory_space<vmem>>, vector<16xi32>,
      %get3A_174 = arith.index_cast %mul3A_168 : i32 to index
      %get3A_175 = tpu.vector_load %arg19[%get3A_174] {strides = array<i32>} : memref<512xi32, #tpu.memory_space<vmem>>, vector<16xi32>,
      %gather3A = tpu.vector_load_idx %arg20[%add3A_172, %get3A_173] : memref<512x16xf32, #tpu.memory_space<vmem>>[vector<16xi32>, vector<16xi32>], vector<16xf32>,
      %swap3A = arith.index_cast %mul3A_168 : i32 to index
      %swap3A_176 = tpu.vector_load %arg22[%swap3A] {strides = array<i32>} : memref<512xf32, #tpu.memory_space<vmem>>, vector<16xf32>,
      tpu.vector_store %arg22[%swap3A], %gather3A {strides = array<i32>} : memref<512xf32, #tpu.memory_space<vmem>>, vector<16xf32>,
      %add3A_177 = arith.constant 1 : i32
      %add3A_178 = vector.broadcast %add3A_177 : i32 to vector<16xi32>
      %add3A_179 = arith.addi %get3A_173, %add3A_178 : vector<16xi32>
      %gather3A_180 = tpu.vector_load_idx %arg20[%add3A_172, %add3A_179] : memref<512x16xf32, #tpu.memory_space<vmem>>[vector<16xi32>, vector<16xi32>], vector<16xf32>,
      %swap3A_181 = arith.index_cast %mul3A_168 : i32 to index
      %swap3A_182 = tpu.vector_load %arg23[%swap3A_181] {strides = array<i32>} : memref<512xf32, #tpu.memory_space<vmem>>, vector<16xf32>,
      tpu.vector_store %arg23[%swap3A_181], %gather3A_180 {strides = array<i32>} : memref<512xf32, #tpu.memory_space<vmem>>, vector<16xf32>,
      %add3A_183 = arith.constant 2 : i32
      %add3A_184 = vector.broadcast %add3A_183 : i32 to vector<16xi32>
      %add3A_185 = arith.addi %get3A_173, %add3A_184 : vector<16xi32>
      %gather3A_186 = tpu.vector_load_idx %arg20[%add3A_172, %add3A_185] : memref<512x16xf32, #tpu.memory_space<vmem>>[vector<16xi32>, vector<16xi32>], vector<16xf32>,
      %swap3A_187 = arith.index_cast %mul3A_168 : i32 to index
      %swap3A_188 = tpu.vector_load %arg24[%swap3A_187] {strides = array<i32>} : memref<512xf32, #tpu.memory_space<vmem>>, vector<16xf32>,
      tpu.vector_store %arg24[%swap3A_187], %gather3A_186 {strides = array<i32>} : memref<512xf32, #tpu.memory_space<vmem>>, vector<16xf32>,
      %add3A_189 = arith.constant 3 : i32
      %add3A_190 = vector.broadcast %add3A_189 : i32 to vector<16xi32>
      %add3A_191 = arith.addi %get3A_173, %add3A_190 : vector<16xi32>
      %gather3A_192 = tpu.vector_load_idx %arg20[%add3A_172, %add3A_191] : memref<512x16xf32, #tpu.memory_space<vmem>>[vector<16xi32>, vector<16xi32>], vector<16xf32>,
      %swap3A_193 = arith.index_cast %mul3A_168 : i32 to index
      %swap3A_194 = tpu.vector_load %arg25[%swap3A_193] {strides = array<i32>} : memref<512xf32, #tpu.memory_space<vmem>>, vector<16xf32>,
      tpu.vector_store %arg25[%swap3A_193], %gather3A_192 {strides = array<i32>} : memref<512xf32, #tpu.memory_space<vmem>>, vector<16xf32>,
      %gather3A_195 = tpu.vector_load_idx %arg21[%add3A_172, %get3A_175] : memref<512x16xf32, #tpu.memory_space<vmem>>[vector<16xi32>, vector<16xi32>], vector<16xf32>,
      %swap3A_196 = arith.index_cast %mul3A_168 : i32 to index
      %swap3A_197 = tpu.vector_load %arg26[%swap3A_196] {strides = array<i32>} : memref<512xf32, #tpu.memory_space<vmem>>, vector<16xf32>,
      tpu.vector_store %arg26[%swap3A_196], %gather3A_195 {strides = array<i32>} : memref<512xf32, #tpu.memory_space<vmem>>, vector<16xf32>,
      %add3A_198 = arith.constant 1 : i32
      %add3A_199 = vector.broadcast %add3A_198 : i32 to vector<16xi32>
      %add3A_200 = arith.addi %get3A_175, %add3A_199 : vector<16xi32>
      %gather3A_201 = tpu.vector_load_idx %arg21[%add3A_172, %add3A_200] : memref<512x16xf32, #tpu.memory_space<vmem>>[vector<16xi32>, vector<16xi32>], vector<16xf32>,
      %swap3A_202 = arith.index_cast %mul3A_168 : i32 to index
      %swap3A_203 = tpu.vector_load %arg27[%swap3A_202] {strides = array<i32>} : memref<512xf32, #tpu.memory_space<vmem>>, vector<16xf32>,
      tpu.vector_store %arg27[%swap3A_202], %gather3A_201 {strides = array<i32>} : memref<512xf32, #tpu.memory_space<vmem>>, vector<16xf32>,
      %add3A_204 = arith.constant 2 : i32
      %add3A_205 = vector.broadcast %add3A_204 : i32 to vector<16xi32>
      %add3A_206 = arith.addi %get3A_175, %add3A_205 : vector<16xi32>
      %gather3A_207 = tpu.vector_load_idx %arg21[%add3A_172, %add3A_206] : memref<512x16xf32, #tpu.memory_space<vmem>>[vector<16xi32>, vector<16xi32>], vector<16xf32>,
      %swap3A_208 = arith.index_cast %mul3A_168 : i32 to index
      %swap3A_209 = tpu.vector_load %arg28[%swap3A_208] {strides = array<i32>} : memref<512xf32, #tpu.memory_space<vmem>>, vector<16xf32>,
      tpu.vector_store %arg28[%swap3A_208], %gather3A_207 {strides = array<i32>} : memref<512xf32, #tpu.memory_space<vmem>>, vector<16xf32>,
      %add3A_210 = arith.constant 3 : i32
      %add3A_211 = vector.broadcast %add3A_210 : i32 to vector<16xi32>
      %add3A_212 = arith.addi %get3A_175, %add3A_211 : vector<16xi32>
      %gather3A_213 = tpu.vector_load_idx %arg21[%add3A_172, %add3A_212] : memref<512x16xf32, #tpu.memory_space<vmem>>[vector<16xi32>, vector<16xi32>], vector<16xf32>,
      %swap3A_214 = arith.index_cast %mul3A_168 : i32 to index
      %swap3A_215 = tpu.vector_load %arg29[%swap3A_214] {strides = array<i32>} : memref<512xf32, #tpu.memory_space<vmem>>, vector<16xf32>,
      tpu.vector_store %arg29[%swap3A_214], %gather3A_213 {strides = array<i32>} : memref<512xf32, #tpu.memory_space<vmem>>, vector<16xf32>,
    }
    %scan3A_163 = arith.constant 32 : i32
    %mul3A_164 = arith.constant 512 : i32
    %mul3A_165 = arith.muli %add3A, %mul3A_164 : i32
    "tpu.region"() ({
      %run_scoped3A = tpu.sem_alloc : memref<!tpu.dma_semaphore, #tpu.memory_space<semaphore_mem>>
      %dma_start3A_166 = tpu.memref_slice %arg8[%mul3A_165] : memref<16384xf32, #tpu.memory_space<hbm>> -> memref<512xf32, #tpu.memory_space<hbm>>
      %dma_start3A_167 = tpu.memref_slice %arg8[%mul3A_165] : memref<16384xf32, #tpu.memory_space<hbm>> -> memref<512xf32, #tpu.memory_space<hbm>>
      tpu.enqueue_dma source(%arg22 : memref<512xf32, #tpu.memory_space<vmem>>) target(%dma_start3A_167 : memref<512xf32, #tpu.memory_space<hbm>>) target_semaphore(%run_scoped3A : memref<!tpu.dma_semaphore, #tpu.memory_space<semaphore_mem>>)
      %dma_wait3A_168 = tpu.memref_slice %arg8[%mul3A_165] : memref<16384xf32, #tpu.memory_space<hbm>> -> memref<512xf32, #tpu.memory_space<hbm>>
      %dma_wait3A_169 = tpu.memref_slice %arg8[%mul3A_165] : memref<16384xf32, #tpu.memory_space<hbm>> -> memref<512xf32, #tpu.memory_space<hbm>>
      tpu.wait_dma2 semaphore(%run_scoped3A : memref<!tpu.dma_semaphore, #tpu.memory_space<semaphore_mem>>) src(%arg22 : memref<512xf32, #tpu.memory_space<vmem>>) dst(%dma_wait3A_169 : memref<512xf32, #tpu.memory_space<hbm>>)
      tpu.yield
    }) : () -> ()
    "tpu.region"() ({
      %run_scoped3A = tpu.sem_alloc : memref<!tpu.dma_semaphore, #tpu.memory_space<semaphore_mem>>
      %dma_start3A_166 = tpu.memref_slice %arg9[%mul3A_165] : memref<16384xf32, #tpu.memory_space<hbm>> -> memref<512xf32, #tpu.memory_space<hbm>>
      %dma_start3A_167 = tpu.memref_slice %arg9[%mul3A_165] : memref<16384xf32, #tpu.memory_space<hbm>> -> memref<512xf32, #tpu.memory_space<hbm>>
      tpu.enqueue_dma source(%arg23 : memref<512xf32, #tpu.memory_space<vmem>>) target(%dma_start3A_167 : memref<512xf32, #tpu.memory_space<hbm>>) target_semaphore(%run_scoped3A : memref<!tpu.dma_semaphore, #tpu.memory_space<semaphore_mem>>)
      %dma_wait3A_168 = tpu.memref_slice %arg9[%mul3A_165] : memref<16384xf32, #tpu.memory_space<hbm>> -> memref<512xf32, #tpu.memory_space<hbm>>
      %dma_wait3A_169 = tpu.memref_slice %arg9[%mul3A_165] : memref<16384xf32, #tpu.memory_space<hbm>> -> memref<512xf32, #tpu.memory_space<hbm>>
      tpu.wait_dma2 semaphore(%run_scoped3A : memref<!tpu.dma_semaphore, #tpu.memory_space<semaphore_mem>>) src(%arg23 : memref<512xf32, #tpu.memory_space<vmem>>) dst(%dma_wait3A_169 : memref<512xf32, #tpu.memory_space<hbm>>)
      tpu.yield
    }) : () -> ()
    "tpu.region"() ({
      %run_scoped3A = tpu.sem_alloc : memref<!tpu.dma_semaphore, #tpu.memory_space<semaphore_mem>>
      %dma_start3A_166 = tpu.memref_slice %arg10[%mul3A_165] : memref<16384xf32, #tpu.memory_space<hbm>> -> memref<512xf32, #tpu.memory_space<hbm>>
      %dma_start3A_167 = tpu.memref_slice %arg10[%mul3A_165] : memref<16384xf32, #tpu.memory_space<hbm>> -> memref<512xf32, #tpu.memory_space<hbm>>
      tpu.enqueue_dma source(%arg24 : memref<512xf32, #tpu.memory_space<vmem>>) target(%dma_start3A_167 : memref<512xf32, #tpu.memory_space<hbm>>) target_semaphore(%run_scoped3A : memref<!tpu.dma_semaphore, #tpu.memory_space<semaphore_mem>>)
      %dma_wait3A_168 = tpu.memref_slice %arg10[%mul3A_165] : memref<16384xf32, #tpu.memory_space<hbm>> -> memref<512xf32, #tpu.memory_space<hbm>>
      %dma_wait3A_169 = tpu.memref_slice %arg10[%mul3A_165] : memref<16384xf32, #tpu.memory_space<hbm>> -> memref<512xf32, #tpu.memory_space<hbm>>
      tpu.wait_dma2 semaphore(%run_scoped3A : memref<!tpu.dma_semaphore, #tpu.memory_space<semaphore_mem>>) src(%arg24 : memref<512xf32, #tpu.memory_space<vmem>>) dst(%dma_wait3A_169 : memref<512xf32, #tpu.memory_space<hbm>>)
      tpu.yield
    }) : () -> ()
    "tpu.region"() ({
      %run_scoped3A = tpu.sem_alloc : memref<!tpu.dma_semaphore, #tpu.memory_space<semaphore_mem>>
      %dma_start3A_166 = tpu.memref_slice %arg11[%mul3A_165] : memref<16384xf32, #tpu.memory_space<hbm>> -> memref<512xf32, #tpu.memory_space<hbm>>
      %dma_start3A_167 = tpu.memref_slice %arg11[%mul3A_165] : memref<16384xf32, #tpu.memory_space<hbm>> -> memref<512xf32, #tpu.memory_space<hbm>>
      tpu.enqueue_dma source(%arg25 : memref<512xf32, #tpu.memory_space<vmem>>) target(%dma_start3A_167 : memref<512xf32, #tpu.memory_space<hbm>>) target_semaphore(%run_scoped3A : memref<!tpu.dma_semaphore, #tpu.memory_space<semaphore_mem>>)
      %dma_wait3A_168 = tpu.memref_slice %arg11[%mul3A_165] : memref<16384xf32, #tpu.memory_space<hbm>> -> memref<512xf32, #tpu.memory_space<hbm>>
      %dma_wait3A_169 = tpu.memref_slice %arg11[%mul3A_165] : memref<16384xf32, #tpu.memory_space<hbm>> -> memref<512xf32, #tpu.memory_space<hbm>>
      tpu.wait_dma2 semaphore(%run_scoped3A : memref<!tpu.dma_semaphore, #tpu.memory_space<semaphore_mem>>) src(%arg25 : memref<512xf32, #tpu.memory_space<vmem>>) dst(%dma_wait3A_169 : memref<512xf32, #tpu.memory_space<hbm>>)
      tpu.yield
    }) : () -> ()
    "tpu.region"() ({
      %run_scoped3A = tpu.sem_alloc : memref<!tpu.dma_semaphore, #tpu.memory_space<semaphore_mem>>
      %dma_start3A_166 = tpu.memref_slice %arg12[%mul3A_165] : memref<16384xf32, #tpu.memory_space<hbm>> -> memref<512xf32, #tpu.memory_space<hbm>>
      %dma_start3A_167 = tpu.memref_slice %arg12[%mul3A_165] : memref<16384xf32, #tpu.memory_space<hbm>> -> memref<512xf32, #tpu.memory_space<hbm>>
      tpu.enqueue_dma source(%arg26 : memref<512xf32, #tpu.memory_space<vmem>>) target(%dma_start3A_167 : memref<512xf32, #tpu.memory_space<hbm>>) target_semaphore(%run_scoped3A : memref<!tpu.dma_semaphore, #tpu.memory_space<semaphore_mem>>)
      %dma_wait3A_168 = tpu.memref_slice %arg12[%mul3A_165] : memref<16384xf32, #tpu.memory_space<hbm>> -> memref<512xf32, #tpu.memory_space<hbm>>
      %dma_wait3A_169 = tpu.memref_slice %arg12[%mul3A_165] : memref<16384xf32, #tpu.memory_space<hbm>> -> memref<512xf32, #tpu.memory_space<hbm>>
      tpu.wait_dma2 semaphore(%run_scoped3A : memref<!tpu.dma_semaphore, #tpu.memory_space<semaphore_mem>>) src(%arg26 : memref<512xf32, #tpu.memory_space<vmem>>) dst(%dma_wait3A_169 : memref<512xf32, #tpu.memory_space<hbm>>)
      tpu.yield
    }) : () -> ()
    "tpu.region"() ({
      %run_scoped3A = tpu.sem_alloc : memref<!tpu.dma_semaphore, #tpu.memory_space<semaphore_mem>>
      %dma_start3A_166 = tpu.memref_slice %arg13[%mul3A_165] : memref<16384xf32, #tpu.memory_space<hbm>> -> memref<512xf32, #tpu.memory_space<hbm>>
      %dma_start3A_167 = tpu.memref_slice %arg13[%mul3A_165] : memref<16384xf32, #tpu.memory_space<hbm>> -> memref<512xf32, #tpu.memory_space<hbm>>
      tpu.enqueue_dma source(%arg27 : memref<512xf32, #tpu.memory_space<vmem>>) target(%dma_start3A_167 : memref<512xf32, #tpu.memory_space<hbm>>) target_semaphore(%run_scoped3A : memref<!tpu.dma_semaphore, #tpu.memory_space<semaphore_mem>>)
      %dma_wait3A_168 = tpu.memref_slice %arg13[%mul3A_165] : memref<16384xf32, #tpu.memory_space<hbm>> -> memref<512xf32, #tpu.memory_space<hbm>>
      %dma_wait3A_169 = tpu.memref_slice %arg13[%mul3A_165] : memref<16384xf32, #tpu.memory_space<hbm>> -> memref<512xf32, #tpu.memory_space<hbm>>
      tpu.wait_dma2 semaphore(%run_scoped3A : memref<!tpu.dma_semaphore, #tpu.memory_space<semaphore_mem>>) src(%arg27 : memref<512xf32, #tpu.memory_space<vmem>>) dst(%dma_wait3A_169 : memref<512xf32, #tpu.memory_space<hbm>>)
      tpu.yield
    }) : () -> ()
    "tpu.region"() ({
      %run_scoped3A = tpu.sem_alloc : memref<!tpu.dma_semaphore, #tpu.memory_space<semaphore_mem>>
      %dma_start3A_166 = tpu.memref_slice %arg14[%mul3A_165] : memref<16384xf32, #tpu.memory_space<hbm>> -> memref<512xf32, #tpu.memory_space<hbm>>
      %dma_start3A_167 = tpu.memref_slice %arg14[%mul3A_165] : memref<16384xf32, #tpu.memory_space<hbm>> -> memref<512xf32, #tpu.memory_space<hbm>>
      tpu.enqueue_dma source(%arg28 : memref<512xf32, #tpu.memory_space<vmem>>) target(%dma_start3A_167 : memref<512xf32, #tpu.memory_space<hbm>>) target_semaphore(%run_scoped3A : memref<!tpu.dma_semaphore, #tpu.memory_space<semaphore_mem>>)
      %dma_wait3A_168 = tpu.memref_slice %arg14[%mul3A_165] : memref<16384xf32, #tpu.memory_space<hbm>> -> memref<512xf32, #tpu.memory_space<hbm>>
      %dma_wait3A_169 = tpu.memref_slice %arg14[%mul3A_165] : memref<16384xf32, #tpu.memory_space<hbm>> -> memref<512xf32, #tpu.memory_space<hbm>>
      tpu.wait_dma2 semaphore(%run_scoped3A : memref<!tpu.dma_semaphore, #tpu.memory_space<semaphore_mem>>) src(%arg28 : memref<512xf32, #tpu.memory_space<vmem>>) dst(%dma_wait3A_169 : memref<512xf32, #tpu.memory_space<hbm>>)
      tpu.yield
    }) : () -> ()
    "tpu.region"() ({
      %run_scoped3A = tpu.sem_alloc : memref<!tpu.dma_semaphore, #tpu.memory_space<semaphore_mem>>
      %dma_start3A_166 = tpu.memref_slice %arg15[%mul3A_165] : memref<16384xf32, #tpu.memory_space<hbm>> -> memref<512xf32, #tpu.memory_space<hbm>>
      %dma_start3A_167 = tpu.memref_slice %arg15[%mul3A_165] : memref<16384xf32, #tpu.memory_space<hbm>> -> memref<512xf32, #tpu.memory_space<hbm>>
      tpu.enqueue_dma source(%arg29 : memref<512xf32, #tpu.memory_space<vmem>>) target(%dma_start3A_167 : memref<512xf32, #tpu.memory_space<hbm>>) target_semaphore(%run_scoped3A : memref<!tpu.dma_semaphore, #tpu.memory_space<semaphore_mem>>)
      %dma_wait3A_168 = tpu.memref_slice %arg15[%mul3A_165] : memref<16384xf32, #tpu.memory_space<hbm>> -> memref<512xf32, #tpu.memory_space<hbm>>
      %dma_wait3A_169 = tpu.memref_slice %arg15[%mul3A_165] : memref<16384xf32, #tpu.memory_space<hbm>> -> memref<512xf32, #tpu.memory_space<hbm>>
      tpu.wait_dma2 semaphore(%run_scoped3A : memref<!tpu.dma_semaphore, #tpu.memory_space<semaphore_mem>>) src(%arg29 : memref<512xf32, #tpu.memory_space<vmem>>) dst(%dma_wait3A_169 : memref<512xf32, #tpu.memory_space<hbm>>)
      tpu.yield
    }) : () -> ()
    return
  }
}

module attributes {stable_mosaic.version = 14 : i64} {
  func.func @_softmax_body(%arg0: i32, %arg1: memref<2048x81xf32, #tpu.memory_space<vmem>>, %arg2: memref<81x2048xf32, #tpu.memory_space<vmem>>) attributes {dimension_semantics = [#tpu.dimension_semantics<arbitrary>], iteration_bounds = array<i64: 10>, scalar_prefetch = 0 : i64, scratch_operands = 0 : i64, tpu.core_type = #tpu.core_type<tc>, window_params = [{transform_indices = @transform_0, window_bounds = array<i64: 2048, 81>}, {transform_indices = @transform_1, window_bounds = array<i64: 81, 2048>}]} {
    %get3A = arith.constant 0 : index
    %get3A_0 = arith.constant 0 : index
    %get3A_1 = vector.load %arg1[%get3A, %get3A_0] : memref<2048x81xf32, #tpu.memory_space<vmem>>, vector<2048x81xf32>
    %reduce_max3A = arith.constant dense<0xFF800000> : vector<2048xf32>
    %reduce_max3A_2 = vector.multi_reduction <maximumf>, %get3A_1, %reduce_max3A [1] : vector<2048x81xf32> to vector<2048xf32>
    %broadcast_in_dim3A = vector.shape_cast %reduce_max3A_2 : vector<2048xf32> to vector<2048x1xf32>
    %sub3A = vector.broadcast %broadcast_in_dim3A : vector<2048x1xf32> to vector<2048x81xf32>
    %sub3A_3 = arith.subf %get3A_1, %sub3A : vector<2048x81xf32>
    %exp3A = math.exp %sub3A_3 : vector<2048x81xf32>
    %reduce_sum3A = arith.constant dense<0.000000e+00> : vector<2048xf32>
    %reduce_sum3A_4 = vector.multi_reduction <add>, %exp3A, %reduce_sum3A [1] : vector<2048x81xf32> to vector<2048xf32>
    %broadcast_in_dim3A_5 = vector.shape_cast %reduce_sum3A_4 : vector<2048xf32> to vector<2048x1xf32>
    %div3A = vector.broadcast %broadcast_in_dim3A_5 : vector<2048x1xf32> to vector<2048x81xf32>
    %div3A_6 = arith.divf %exp3A, %div3A : vector<2048x81xf32>
    %gt3A = arith.constant 5.000000e-02 : f32
    %gt3A_7 = vector.broadcast %gt3A : f32 to vector<2048x81xf32>
    %gt3A_8 = arith.cmpf ogt, %div3A_6, %gt3A_7 : vector<2048x81xf32>
    %jit3A = arith.constant 0xFF800000 : f32
    %broadcast_in_dim3A_9 = vector.broadcast %jit3A : f32 to vector<2048x81xf32>
    %select_n3A = arith.select %gt3A_8, %div3A_6, %broadcast_in_dim3A_9 : vector<2048x81xi1>, vector<2048x81xf32>
    %transpose3A = tpu.transpose %select_n3A, [1, 0] : vector<2048x81xf32> -> vector<81x2048xf32>
    %swap3A = arith.constant 0 : index
    %swap3A_10 = arith.constant 0 : index
    %swap3A_11 = vector.load %arg2[%swap3A, %swap3A_10] : memref<81x2048xf32, #tpu.memory_space<vmem>>, vector<81x2048xf32>
    tpu.vector_store %arg2[%swap3A, %swap3A_10], %transpose3A {strides = array<i32>} : memref<81x2048xf32, #tpu.memory_space<vmem>>, vector<81x2048xf32>,
    return
  }
  func.func @transform_0(%arg0: i32) -> (i32, i32) {
    %c0_i32 = arith.constant 0 : i32
    %c0_i32_0 = arith.constant 0 : i32
    return %arg0, %c0_i32 : i32, i32
  }
  func.func @transform_1(%arg0: i32) -> (i32, i32) {
    %c0_i32 = arith.constant 0 : i32
    %c0_i32_0 = arith.constant 0 : i32
    return %c0_i32, %arg0 : i32, i32
  }
}

module attributes {stable_mosaic.version = 14 : i64} {
  func.func @_nms_body(%arg0: memref<200x80xf32, #tpu.memory_space<vmem>>, %arg1: memref<200x80xf32, #tpu.memory_space<vmem>>, %arg2: memref<200x80xf32, #tpu.memory_space<vmem>>, %arg3: memref<200x80xf32, #tpu.memory_space<vmem>>, %arg4: memref<200x80xf32, #tpu.memory_space<vmem>>, %arg5: memref<200x80xf32, #tpu.memory_space<vmem>>, %arg6: memref<200x80xf32, #tpu.memory_space<vmem>>, %arg7: memref<200x80xf32, #tpu.memory_space<vmem>>, %arg8: memref<200x80xf32, #tpu.memory_space<vmem>>, %arg9: memref<200x80xf32, #tpu.memory_space<vmem>>, %arg10: memref<200x80xf32, #tpu.memory_space<vmem>>, %arg11: memref<200x80xf32, #tpu.memory_space<vmem>>, %arg12: memref<200x80xf32, #tpu.memory_space<vmem>>, %arg13: memref<200x80xf32, #tpu.memory_space<vmem>>, %arg14: memref<200x80xf32, #tpu.memory_space<vmem>>) attributes {dimension_semantics = [], scalar_prefetch = 0 : i64, scratch_operands = 0 : i64, tpu.core_type = #tpu.core_type<tc>} {
    %get3A = arith.constant 0 : index
    %get3A_0 = arith.constant 0 : index
    %get3A_1 = vector.load %arg0[%get3A, %get3A_0] : memref<200x80xf32, #tpu.memory_space<vmem>>, vector<200x80xf32>
    %get3A_2 = arith.constant 0 : index
    %get3A_3 = arith.constant 0 : index
    %get3A_4 = vector.load %arg1[%get3A_2, %get3A_3] : memref<200x80xf32, #tpu.memory_space<vmem>>, vector<200x80xf32>
    %get3A_5 = arith.constant 0 : index
    %get3A_6 = arith.constant 0 : index
    %get3A_7 = vector.load %arg2[%get3A_5, %get3A_6] : memref<200x80xf32, #tpu.memory_space<vmem>>, vector<200x80xf32>
    %get3A_8 = arith.constant 0 : index
    %get3A_9 = arith.constant 0 : index
    %get3A_10 = vector.load %arg3[%get3A_8, %get3A_9] : memref<200x80xf32, #tpu.memory_space<vmem>>, vector<200x80xf32>
    %get3A_11 = arith.constant 0 : index
    %get3A_12 = arith.constant 0 : index
    %get3A_13 = vector.load %arg4[%get3A_11, %get3A_12] : memref<200x80xf32, #tpu.memory_space<vmem>>, vector<200x80xf32>
    %get3A_14 = arith.constant 0 : index
    %get3A_15 = arith.constant 0 : index
    %get3A_16 = vector.load %arg5[%get3A_14, %get3A_15] : memref<200x80xf32, #tpu.memory_space<vmem>>, vector<200x80xf32>
    %get3A_17 = arith.constant 0 : index
    %get3A_18 = arith.constant 0 : index
    %get3A_19 = vector.load %arg6[%get3A_17, %get3A_18] : memref<200x80xf32, #tpu.memory_space<vmem>>, vector<200x80xf32>
    %get3A_20 = arith.constant 0 : index
    %get3A_21 = arith.constant 0 : index
    %get3A_22 = vector.load %arg7[%get3A_20, %get3A_21] : memref<200x80xf32, #tpu.memory_space<vmem>>, vector<200x80xf32>
    %sub3A = arith.subf %get3A_19, %get3A_13 : vector<200x80xf32>
    %add3A = arith.constant 1.000000e+00 : f32
    %add3A_23 = vector.broadcast %add3A : f32 to vector<200x80xf32>
    %add3A_24 = arith.addf %sub3A, %add3A_23 : vector<200x80xf32>
    %sub3A_25 = arith.subf %get3A_22, %get3A_16 : vector<200x80xf32>
    %add3A_26 = arith.constant 1.000000e+00 : f32
    %add3A_27 = vector.broadcast %add3A_26 : f32 to vector<200x80xf32>
    %add3A_28 = arith.addf %sub3A_25, %add3A_27 : vector<200x80xf32>
    %mul3A = arith.constant 5.000000e-01 : f32
    %mul3A_29 = vector.broadcast %mul3A : f32 to vector<200x80xf32>
    %mul3A_30 = arith.mulf %mul3A_29, %add3A_24 : vector<200x80xf32>
    %add3A_31 = arith.addf %get3A_13, %mul3A_30 : vector<200x80xf32>
    %mul3A_32 = arith.constant 5.000000e-01 : f32
    %mul3A_33 = vector.broadcast %mul3A_32 : f32 to vector<200x80xf32>
    %mul3A_34 = arith.mulf %mul3A_33, %add3A_28 : vector<200x80xf32>
    %add3A_35 = arith.addf %get3A_16, %mul3A_34 : vector<200x80xf32>
    %div3A = arith.constant 1.000000e+01 : f32
    %div3A_36 = vector.broadcast %div3A : f32 to vector<200x80xf32>
    %div3A_37 = arith.divf %get3A_1, %div3A_36 : vector<200x80xf32>
    %div3A_38 = arith.constant 1.000000e+01 : f32
    %div3A_39 = vector.broadcast %div3A_38 : f32 to vector<200x80xf32>
    %div3A_40 = arith.divf %get3A_4, %div3A_39 : vector<200x80xf32>
    %div3A_41 = arith.constant 5.000000e+00 : f32
    %div3A_42 = vector.broadcast %div3A_41 : f32 to vector<200x80xf32>
    %div3A_43 = arith.divf %get3A_7, %div3A_42 : vector<200x80xf32>
    %min3A = arith.constant 4.13516665 : f32
    %min3A_44 = vector.broadcast %min3A : f32 to vector<200x80xf32>
    %min3A_45 = arith.minimumf %div3A_43, %min3A_44 : vector<200x80xf32>
    %div3A_46 = arith.constant 5.000000e+00 : f32
    %div3A_47 = vector.broadcast %div3A_46 : f32 to vector<200x80xf32>
    %div3A_48 = arith.divf %get3A_10, %div3A_47 : vector<200x80xf32>
    %min3A_49 = arith.constant 4.13516665 : f32
    %min3A_50 = vector.broadcast %min3A_49 : f32 to vector<200x80xf32>
    %min3A_51 = arith.minimumf %div3A_48, %min3A_50 : vector<200x80xf32>
    %mul3A_52 = arith.mulf %div3A_37, %add3A_24 : vector<200x80xf32>
    %add3A_53 = arith.addf %mul3A_52, %add3A_31 : vector<200x80xf32>
    %mul3A_54 = arith.mulf %div3A_40, %add3A_28 : vector<200x80xf32>
    %add3A_55 = arith.addf %mul3A_54, %add3A_35 : vector<200x80xf32>
    %exp3A = math.exp %min3A_45 : vector<200x80xf32>
    %mul3A_56 = arith.mulf %exp3A, %add3A_24 : vector<200x80xf32>
    %exp3A_57 = math.exp %min3A_51 : vector<200x80xf32>
    %mul3A_58 = arith.mulf %exp3A_57, %add3A_28 : vector<200x80xf32>
    %mul3A_59 = arith.constant 5.000000e-01 : f32
    %mul3A_60 = vector.broadcast %mul3A_59 : f32 to vector<200x80xf32>
    %mul3A_61 = arith.mulf %mul3A_60, %mul3A_56 : vector<200x80xf32>
    %sub3A_62 = arith.subf %add3A_53, %mul3A_61 : vector<200x80xf32>
    %jit3A = arith.constant 0.000000e+00 : f32
    %jit3A_63 = arith.constant 1.023000e+03 : f32
    %max3A = vector.broadcast %jit3A : f32 to vector<200x80xf32>
    %max3A_64 = arith.maximumf %max3A, %sub3A_62 : vector<200x80xf32>
    %min3A_65 = vector.broadcast %jit3A_63 : f32 to vector<200x80xf32>
    %min3A_66 = arith.minimumf %min3A_65, %max3A_64 : vector<200x80xf32>
    %mul3A_67 = arith.constant 5.000000e-01 : f32
    %mul3A_68 = vector.broadcast %mul3A_67 : f32 to vector<200x80xf32>
    %mul3A_69 = arith.mulf %mul3A_68, %mul3A_58 : vector<200x80xf32>
    %sub3A_70 = arith.subf %add3A_55, %mul3A_69 : vector<200x80xf32>
    %jit3A_71 = arith.constant 0.000000e+00 : f32
    %jit3A_72 = arith.constant 1.023000e+03 : f32
    %max3A_73 = vector.broadcast %jit3A_71 : f32 to vector<200x80xf32>
    %max3A_74 = arith.maximumf %max3A_73, %sub3A_70 : vector<200x80xf32>
    %min3A_75 = vector.broadcast %jit3A_72 : f32 to vector<200x80xf32>
    %min3A_76 = arith.minimumf %min3A_75, %max3A_74 : vector<200x80xf32>
    %mul3A_77 = arith.constant 5.000000e-01 : f32
    %mul3A_78 = vector.broadcast %mul3A_77 : f32 to vector<200x80xf32>
    %mul3A_79 = arith.mulf %mul3A_78, %mul3A_56 : vector<200x80xf32>
    %add3A_80 = arith.addf %add3A_53, %mul3A_79 : vector<200x80xf32>
    %sub3A_81 = arith.constant 1.000000e+00 : f32
    %sub3A_82 = vector.broadcast %sub3A_81 : f32 to vector<200x80xf32>
    %sub3A_83 = arith.subf %add3A_80, %sub3A_82 : vector<200x80xf32>
    %jit3A_84 = arith.constant 0.000000e+00 : f32
    %jit3A_85 = arith.constant 1.023000e+03 : f32
    %max3A_86 = vector.broadcast %jit3A_84 : f32 to vector<200x80xf32>
    %max3A_87 = arith.maximumf %max3A_86, %sub3A_83 : vector<200x80xf32>
    %min3A_88 = vector.broadcast %jit3A_85 : f32 to vector<200x80xf32>
    %min3A_89 = arith.minimumf %min3A_88, %max3A_87 : vector<200x80xf32>
    %mul3A_90 = arith.constant 5.000000e-01 : f32
    %mul3A_91 = vector.broadcast %mul3A_90 : f32 to vector<200x80xf32>
    %mul3A_92 = arith.mulf %mul3A_91, %mul3A_58 : vector<200x80xf32>
    %add3A_93 = arith.addf %add3A_55, %mul3A_92 : vector<200x80xf32>
    %sub3A_94 = arith.constant 1.000000e+00 : f32
    %sub3A_95 = vector.broadcast %sub3A_94 : f32 to vector<200x80xf32>
    %sub3A_96 = arith.subf %add3A_93, %sub3A_95 : vector<200x80xf32>
    %jit3A_97 = arith.constant 0.000000e+00 : f32
    %jit3A_98 = arith.constant 1.023000e+03 : f32
    %max3A_99 = vector.broadcast %jit3A_97 : f32 to vector<200x80xf32>
    %max3A_100 = arith.maximumf %max3A_99, %sub3A_96 : vector<200x80xf32>
    %min3A_101 = vector.broadcast %jit3A_98 : f32 to vector<200x80xf32>
    %min3A_102 = arith.minimumf %min3A_101, %max3A_100 : vector<200x80xf32>
    %sub3A_103 = arith.subf %min3A_89, %min3A_66 : vector<200x80xf32>
    %add3A_104 = arith.constant 1.000000e+00 : f32
    %add3A_105 = vector.broadcast %add3A_104 : f32 to vector<200x80xf32>
    %add3A_106 = arith.addf %sub3A_103, %add3A_105 : vector<200x80xf32>
    %sub3A_107 = arith.subf %min3A_102, %min3A_76 : vector<200x80xf32>
    %add3A_108 = arith.constant 1.000000e+00 : f32
    %add3A_109 = vector.broadcast %add3A_108 : f32 to vector<200x80xf32>
    %add3A_110 = arith.addf %sub3A_107, %add3A_109 : vector<200x80xf32>
    %mul3A_111 = arith.mulf %add3A_106, %add3A_110 : vector<200x80xf32>
    %iota3A = tpu.iota {dimensions = array<i32: 0>} : vector<200x80xi32>
    %swap3A = arith.constant 0 : index
    %swap3A_112 = arith.constant 0 : index
    %swap3A_113 = vector.load %arg10[%swap3A, %swap3A_112] : memref<200x80xf32, #tpu.memory_space<vmem>>, vector<200x80xf32>
    tpu.vector_store %arg10[%swap3A, %swap3A_112], %min3A_66 {strides = array<i32>} : memref<200x80xf32, #tpu.memory_space<vmem>>, vector<200x80xf32>,
    %swap3A_114 = arith.constant 0 : index
    %swap3A_115 = arith.constant 0 : index
    %swap3A_116 = vector.load %arg11[%swap3A_114, %swap3A_115] : memref<200x80xf32, #tpu.memory_space<vmem>>, vector<200x80xf32>
    tpu.vector_store %arg11[%swap3A_114, %swap3A_115], %min3A_76 {strides = array<i32>} : memref<200x80xf32, #tpu.memory_space<vmem>>, vector<200x80xf32>,
    %swap3A_117 = arith.constant 0 : index
    %swap3A_118 = arith.constant 0 : index
    %swap3A_119 = vector.load %arg12[%swap3A_117, %swap3A_118] : memref<200x80xf32, #tpu.memory_space<vmem>>, vector<200x80xf32>
    tpu.vector_store %arg12[%swap3A_117, %swap3A_118], %min3A_89 {strides = array<i32>} : memref<200x80xf32, #tpu.memory_space<vmem>>, vector<200x80xf32>,
    %swap3A_120 = arith.constant 0 : index
    %swap3A_121 = arith.constant 0 : index
    %swap3A_122 = vector.load %arg13[%swap3A_120, %swap3A_121] : memref<200x80xf32, #tpu.memory_space<vmem>>, vector<200x80xf32>
    tpu.vector_store %arg13[%swap3A_120, %swap3A_121], %min3A_102 {strides = array<i32>} : memref<200x80xf32, #tpu.memory_space<vmem>>, vector<200x80xf32>,
    %swap3A_123 = arith.constant 0 : index
    %swap3A_124 = arith.constant 0 : index
    %swap3A_125 = vector.load %arg14[%swap3A_123, %swap3A_124] : memref<200x80xf32, #tpu.memory_space<vmem>>, vector<200x80xf32>
    tpu.vector_store %arg14[%swap3A_123, %swap3A_124], %min3A_45 {strides = array<i32>} : memref<200x80xf32, #tpu.memory_space<vmem>>, vector<200x80xf32>,
    %broadcast_in_dim3A = arith.constant 1.000000e+00 : f32
    %broadcast_in_dim3A_126 = vector.broadcast %broadcast_in_dim3A : f32 to vector<200x80xf32>
    %swap3A_127 = arith.constant 0 : index
    %swap3A_128 = arith.constant 0 : index
    %swap3A_129 = vector.load %arg9[%swap3A_127, %swap3A_128] : memref<200x80xf32, #tpu.memory_space<vmem>>, vector<200x80xf32>
    tpu.vector_store %arg9[%swap3A_127, %swap3A_128], %broadcast_in_dim3A_126 {strides = array<i32>} : memref<200x80xf32, #tpu.memory_space<vmem>>, vector<200x80xf32>,
    %scan3A = arith.constant 0 : i32
    %scan3A_130 = arith.constant 200 : i32
    %scan3A_131 = arith.addi %scan3A, %scan3A_130 : i32
    %scan3A_132 = arith.constant 1 : i32
    scf.for %scan3A_150 = %scan3A to %scan3A_131 step %scan3A_132  : i32 {
      %get3A_151 = arith.index_cast %scan3A_150 : i32 to index
      %get3A_152 = arith.constant 0 : index
      %get3A_153 = vector.load %arg10[%get3A_151, %get3A_152] : memref<200x80xf32, #tpu.memory_space<vmem>>, vector<1x80xf32>
      %get3A_154 = arith.index_cast %scan3A_150 : i32 to index
      %get3A_155 = arith.constant 0 : index
      %get3A_156 = vector.load %arg11[%get3A_154, %get3A_155] : memref<200x80xf32, #tpu.memory_space<vmem>>, vector<1x80xf32>
      %get3A_157 = arith.index_cast %scan3A_150 : i32 to index
      %get3A_158 = arith.constant 0 : index
      %get3A_159 = vector.load %arg12[%get3A_157, %get3A_158] : memref<200x80xf32, #tpu.memory_space<vmem>>, vector<1x80xf32>
      %get3A_160 = arith.index_cast %scan3A_150 : i32 to index
      %get3A_161 = arith.constant 0 : index
      %get3A_162 = vector.load %arg13[%get3A_160, %get3A_161] : memref<200x80xf32, #tpu.memory_space<vmem>>, vector<1x80xf32>
      %get3A_163 = arith.index_cast %scan3A_150 : i32 to index
      %get3A_164 = arith.constant 0 : index
      %get3A_165 = vector.load %arg9[%get3A_163, %get3A_164] : memref<200x80xf32, #tpu.memory_space<vmem>>, vector<1x80xf32>
      %sub3A_166 = arith.subf %get3A_159, %get3A_153 : vector<1x80xf32>
      %add3A_167 = arith.constant 1.000000e+00 : f32
      %add3A_168 = vector.broadcast %add3A_167 : f32 to vector<1x80xf32>
      %add3A_169 = arith.addf %sub3A_166, %add3A_168 : vector<1x80xf32>
      %sub3A_170 = arith.subf %get3A_162, %get3A_156 : vector<1x80xf32>
      %add3A_171 = arith.constant 1.000000e+00 : f32
      %add3A_172 = vector.broadcast %add3A_171 : f32 to vector<1x80xf32>
      %add3A_173 = arith.addf %sub3A_170, %add3A_172 : vector<1x80xf32>
      %mul3A_174 = arith.mulf %add3A_169, %add3A_173 : vector<1x80xf32>
      %min3A_175 = vector.broadcast %get3A_159 : vector<1x80xf32> to vector<200x80xf32>
      %min3A_176 = arith.minimumf %min3A_89, %min3A_175 : vector<200x80xf32>
      %max3A_177 = vector.broadcast %get3A_153 : vector<1x80xf32> to vector<200x80xf32>
      %max3A_178 = arith.maximumf %min3A_66, %max3A_177 : vector<200x80xf32>
      %sub3A_179 = arith.subf %min3A_176, %max3A_178 : vector<200x80xf32>
      %add3A_180 = arith.constant 1.000000e+00 : f32
      %add3A_181 = vector.broadcast %add3A_180 : f32 to vector<200x80xf32>
      %add3A_182 = arith.addf %sub3A_179, %add3A_181 : vector<200x80xf32>
      %max3A_183 = arith.constant 0.000000e+00 : f32
      %max3A_184 = vector.broadcast %max3A_183 : f32 to vector<200x80xf32>
      %max3A_185 = arith.maximumf %add3A_182, %max3A_184 : vector<200x80xf32>
      %min3A_186 = vector.broadcast %get3A_162 : vector<1x80xf32> to vector<200x80xf32>
      %min3A_187 = arith.minimumf %min3A_102, %min3A_186 : vector<200x80xf32>
      %max3A_188 = vector.broadcast %get3A_156 : vector<1x80xf32> to vector<200x80xf32>
      %max3A_189 = arith.maximumf %min3A_76, %max3A_188 : vector<200x80xf32>
      %sub3A_190 = arith.subf %min3A_187, %max3A_189 : vector<200x80xf32>
      %add3A_191 = arith.constant 1.000000e+00 : f32
      %add3A_192 = vector.broadcast %add3A_191 : f32 to vector<200x80xf32>
      %add3A_193 = arith.addf %sub3A_190, %add3A_192 : vector<200x80xf32>
      %max3A_194 = arith.constant 0.000000e+00 : f32
      %max3A_195 = vector.broadcast %max3A_194 : f32 to vector<200x80xf32>
      %max3A_196 = arith.maximumf %add3A_193, %max3A_195 : vector<200x80xf32>
      %mul3A_197 = arith.mulf %max3A_185, %max3A_196 : vector<200x80xf32>
      %add3A_198 = vector.broadcast %mul3A_174 : vector<1x80xf32> to vector<200x80xf32>
      %add3A_199 = arith.addf %mul3A_111, %add3A_198 : vector<200x80xf32>
      %sub3A_200 = arith.subf %add3A_199, %mul3A_197 : vector<200x80xf32>
      %div3A_201 = arith.divf %mul3A_197, %sub3A_200 : vector<200x80xf32>
      %gt3A_202 = arith.constant 5.000000e-01 : f32
      %gt3A_203 = vector.broadcast %gt3A_202 : f32 to vector<200x80xf32>
      %gt3A_204 = arith.cmpf ogt, %div3A_201, %gt3A_203 : vector<200x80xf32>
      %gt3A_205 = arith.constant 5.000000e-01 : f32
      %gt3A_206 = vector.broadcast %gt3A_205 : f32 to vector<1x80xf32>
      %gt3A_207 = arith.cmpf ogt, %get3A_165, %gt3A_206 : vector<1x80xf32>
      %and3A_208 = vector.broadcast %gt3A_207 : vector<1x80xi1> to vector<200x80xi1>
      %and3A_209 = arith.andi %gt3A_204, %and3A_208 : vector<200x80xi1>
      %gt3A_210 = vector.broadcast %scan3A_150 : i32 to vector<200x80xi32>
      %gt3A_211 = arith.cmpi sgt, %iota3A, %gt3A_210 : vector<200x80xi32>
      %and3A_212 = arith.andi %and3A_209, %gt3A_211 : vector<200x80xi1>
      %get3A_213 = arith.constant 0 : index
      %get3A_214 = arith.constant 0 : index
      %get3A_215 = vector.load %arg9[%get3A_213, %get3A_214] : memref<200x80xf32, #tpu.memory_space<vmem>>, vector<200x80xf32>
      %jit3A_216 = arith.constant 0.000000e+00 : f32
      %jit3A_217 = arith.constant 1.000000e+00 : f32
      %broadcast_in_dim3A_218 = vector.broadcast %jit3A_216 : f32 to vector<200x80xf32>
      %broadcast_in_dim3A_219 = vector.broadcast %jit3A_217 : f32 to vector<200x80xf32>
      %select_n3A_220 = arith.select %and3A_212, %broadcast_in_dim3A_218, %broadcast_in_dim3A_219 : vector<200x80xi1>, vector<200x80xf32>
      %mul3A_221 = arith.mulf %get3A_215, %select_n3A_220 : vector<200x80xf32>
      %swap3A_222 = arith.constant 0 : index
      %swap3A_223 = arith.constant 0 : index
      %swap3A_224 = vector.load %arg9[%swap3A_222, %swap3A_223] : memref<200x80xf32, #tpu.memory_space<vmem>>, vector<200x80xf32>
      tpu.vector_store %arg9[%swap3A_222, %swap3A_223], %mul3A_221 {strides = array<i32>} : memref<200x80xf32, #tpu.memory_space<vmem>>, vector<200x80xf32>,
    }
    %scan3A_133 = arith.constant 200 : i32
    %get3A_134 = arith.constant 0 : index
    %get3A_135 = arith.constant 0 : index
    %get3A_136 = vector.load %arg8[%get3A_134, %get3A_135] : memref<200x80xf32, #tpu.memory_space<vmem>>, vector<200x80xf32>
    %get3A_137 = arith.constant 0 : index
    %get3A_138 = arith.constant 0 : index
    %get3A_139 = vector.load %arg9[%get3A_137, %get3A_138] : memref<200x80xf32, #tpu.memory_space<vmem>>, vector<200x80xf32>
    %gt3A = arith.constant 5.000000e-01 : f32
    %gt3A_140 = vector.broadcast %gt3A : f32 to vector<200x80xf32>
    %gt3A_141 = arith.cmpf ogt, %get3A_139, %gt3A_140 : vector<200x80xf32>
    %gt3A_142 = arith.constant 0xFF800000 : f32
    %gt3A_143 = vector.broadcast %gt3A_142 : f32 to vector<200x80xf32>
    %gt3A_144 = arith.cmpf ogt, %get3A_136, %gt3A_143 : vector<200x80xf32>
    %and3A = arith.andi %gt3A_141, %gt3A_144 : vector<200x80xi1>
    %jit3A_145 = arith.constant 0xFF800000 : f32
    %broadcast_in_dim3A_146 = vector.broadcast %jit3A_145 : f32 to vector<200x80xf32>
    %select_n3A = arith.select %and3A, %get3A_136, %broadcast_in_dim3A_146 : vector<200x80xi1>, vector<200x80xf32>
    %swap3A_147 = arith.constant 0 : index
    %swap3A_148 = arith.constant 0 : index
    %swap3A_149 = vector.load %arg9[%swap3A_147, %swap3A_148] : memref<200x80xf32, #tpu.memory_space<vmem>>, vector<200x80xf32>
    tpu.vector_store %arg9[%swap3A_147, %swap3A_148], %select_n3A {strides = array<i32>} : memref<200x80xf32, #tpu.memory_space<vmem>>, vector<200x80xf32>,
    return
  }
}

</mosaic_0001>

<sc_bundles>
// kernel: gather_offload_async_start
scs
__scs_entry_jumppad:
0x0: {  	(pc) =	sbr.rel $0x88, $3  }
0x1: {  	(tag) =	ssettag $0x0;
	lr =	simm.s32 $0x1  }
0x2: {  	[smem:$0x3F9E] =	sst lr;
	_ =	strace $0xD0000000  }
0x3: {  	_ = 	snop  }
0x4: {  	_ = 	snop  }
0x5: {  	_ = 	snop  }
0x6: {  	_ = 	snop  }
0x7: {  	_ = 	snop  }
__scs_overlays_trampoline_lowered:
0x8: {  	[smem:$0x3FAD] =	sst s0  }
0x9: {  	[smem:$0x3FAE] =	sst s1  }
0xa: {  	[smem:$0x3FAF] =	sst s2  }
0xb: {  	[smem:$0x3FB0] =	sst s3  }
0xc: {  	[smem:$0x3FB1] =	sst s4  }
0xd: {  	[smem:$0x3FB2] =	sst s5  }
0xe: {  	[smem:$0x3FB3] =	sst s6  }
0xf: {  	[smem:$0x3FB4] =	sst s7  }
0x10: {  	[smem:$0x3FB5] =	sst s8  }
0x11: {  	[smem:$0x3FB6] =	sst s9;
	s0 =	simm.s32 @!p0 $0x0  }
0x12: {  	s1 =	sld [smem:$0x3F9C];
	s0 =	simm.s32 @p0 $0x1  }
0x13: {  	[smem:$0x3FB7] =	sst s0;
	s0 =	simm.s32 @!p1 $0x0  }
0x14: {  	s2 =	sld [smem:$0x3F9B];
	s0 =	simm.s32 @p1 $0x1  }
0x15: {  	[smem:$0x3FB8] =	sst s0;
	s0 =	simm.s32 @!p2 $0x0  }
0x16: {  	s3 =	sld [smem:$0x3FDB];
	s0 =	simm.s32 @p2 $0x1  }
0x17: {  	s4 =	simm.s32 $0x1BF5;
	[smem:$0x3FBA] =	sst s0  }
0x18: {  	s0 =	sld [smem:$0x3F9D];
	_ =	swait.ge [sflag:s4], $0x0  }
0x19: {  	s7 =	sld [smem:$0x3F9E]  }
0x1a: {  	s8 =	sadd.s32 $0xFFFFE003, lr  }
0x1b: {  	s9 =	sadd.s32 $0xFFFFFEF7, lr;
	s5 =	simm.s32 $0xFFFFFFFF;
	p2 =	slt.u32 s8, $0xFFFFF086  }
0x1c: {  	p1 =	slt.u32 s9, $0xF7A;
	s5 =	simm.s32 @!p2 $0x0  }
0x1d: {  	s5 =	simm.s32 @p1 $0x1;
	p0 =	seq.s32 s7, s2  }
0x1e: {  	s7 =	smul.u32 @!p0 $0xF7A, s2;
	p2 =	seq.s32 @!p0 s5, $0x0  }
0x1f: {  	s9 =	smul.u32 $0xF7A, s1;
	s8 =	simm.s32 @!p0 $0x1BF5;
	p2 =	por !p2, p0  }
0x20: {  	[sflag:s8] =	ssyncset.s32 @!p0 $0xFFFFF086;
	s6 =	sadd.s32 @!p0 s3, s7;
	s7 =	simm.s32 @!p0 $0x108  }
0x21: {  	s3 =	sadd.s32 s3, s9;
	s6 =	sadd.s32 @!p0 $0x88, s6;
	s7 =	simm.s32 @p2 $0x1082  }
0x22: {  	[simem:s7], [sflag:s8] =	dma.local @!p0 [hbm:s6], $0xF7A  }
0x23: {  	s9 =	sor.u32 $0xD0000000, s2;
	s6 =	simm.s32 $0x108;
	_ =	swait.ge @!p0 [sflag:s8], $0x0  }
0x24: {  	s3 =	sadd.s32 $0x88, s3;
	s6 =	simm.s32 @!p1 $0x1082;
	[sflag:s4] =	ssyncset.s32 $0xFFFFF086  }
0x25: {  	[simem:s6], [sflag:s4] =	dma.local [hbm:s3], $0xF7A  }
0x26: {  	[smem:$0x3F9E] =	sst s1;
	(tag) =	ssettag s2;
	_ =	strace s9  }
0x27: {  	s1 =	sld [smem:$0x3FAE]  }
0x28: {  	s2 =	sld [smem:$0x3FAF]  }
0x29: {  	s4 =	sld [smem:$0x3FB1]  }
0x2a: {  	p0 =	seq.s32 s5, $0x0;
	s5 =	sld [smem:$0x3FB2]  }
0x2b: {  	s6 =	sld [smem:$0x3FB3]  }
0x2c: {  	s7 =	sld [smem:$0x3FB4]  }
0x2d: {  	s3 =	simm.s32 $0x108;
	s8 =	sld [smem:$0x3FB5]  }
0x2e: {  	s3 =	simm.s32 @!p0 $0x1082;
	s9 =	sld [smem:$0x3FB6]  }
0x2f: {  	lr =	sadd.s32 s0, s3;
	s0 =	sld [smem:$0x3FAD]  }
0x30: {  	s3 =	sld [smem:$0x3FB0]  }
0x31: {  	[smem:$0x3FB9] =	sst s10  }
0x32: {  	s10 =	sld [smem:$0x3FB7];
	_ =	sdelay $0x3  }
0x33: {  	p0 =	seq.s32 s10, $0x1;
	s10 =	sld [smem:$0x3FB9];
	_ =	sdelay $0x3  }
0x34: {  	[smem:$0x3FB9] =	sst s10  }
0x35: {  	s10 =	sld [smem:$0x3FB8];
	_ =	sdelay $0x3  }
0x36: {  	p1 =	seq.s32 s10, $0x1;
	s10 =	sld [smem:$0x3FB9];
	_ =	sdelay $0x3  }
0x37: {  	[smem:$0x3FB9] =	sst s10  }
0x38: {  	s10 =	sld [smem:$0x3FBA]  }
0x39: {  	_ = 	snop;
	(pc) =	sbr.ind lr, $3  }
0x3a: {  	_ = 	snop  }
0x3b: {  	_ = 	snop  }
0x3c: {  	p2 =	seq.s32 s10, $0x1;
	s10 =	sld [smem:$0x3FB9]  }
0x3d: {  	_ =	shalt  }
0x3e: {  	_ =	shalt  }
0x3f: {  	_ =	shalt  }
0x40: {  	_ =	shalt  }
0x41: {  	_ =	shalt  }
0x42: {  	_ =	shalt  }
0x43: {  	_ =	shalt  }
0x44: {  	_ =	shalt  }
0x45: {  	_ =	shalt  }
0x46: {  	_ =	shalt  }
0x47: {  	_ =	shalt  }
0x48: {  	_ =	shalt  }
0x49: {  	_ =	shalt  }
0x4a: {  	_ =	shalt  }
0x4b: {  	_ =	shalt  }
0x4c: {  	_ =	shalt  }
0x4d: {  	_ =	shalt  }
0x4e: {  	_ =	shalt  }
0x4f: {  	_ =	shalt  }
0x50: {  	_ =	shalt  }
0x51: {  	_ =	shalt  }
0x52: {  	_ =	shalt  }
0x53: {  	_ =	shalt  }
0x54: {  	_ =	shalt  }
0x55: {  	_ =	shalt  }
0x56: {  	_ =	shalt  }
0x57: {  	_ =	shalt  }
0x58: {  	_ =	shalt  }
0x59: {  	_ =	shalt  }
0x5a: {  	_ =	shalt  }
0x5b: {  	_ =	shalt  }
0x5c: {  	_ =	shalt  }
0x5d: {  	_ =	shalt  }
0x5e: {  	_ =	shalt  }
0x5f: {  	_ =	shalt  }
0x60: {  	_ =	shalt  }
0x61: {  	_ =	shalt  }
0x62: {  	_ =	shalt  }
0x63: {  	_ =	shalt  }
0x64: {  	_ =	shalt  }
0x65: {  	_ =	shalt  }
0x66: {  	_ =	shalt  }
0x67: {  	_ =	shalt  }
0x68: {  	_ =	shalt  }
0x69: {  	_ =	shalt  }
0x6a: {  	_ =	shalt  }
0x6b: {  	_ =	shalt  }
0x6c: {  	_ =	shalt  }
0x6d: {  	_ =	shalt  }
0x6e: {  	_ =	shalt  }
0x6f: {  	_ =	shalt  }
0x70: {  	_ =	shalt  }
0x71: {  	_ =	shalt  }
0x72: {  	_ =	shalt  }
0x73: {  	_ =	shalt  }
0x74: {  	_ =	shalt  }
0x75: {  	_ =	shalt  }
0x76: {  	_ =	shalt  }
0x77: {  	_ =	shalt  }
0x78: {  	_ =	shalt  }
0x79: {  	_ =	shalt  }
0x7a: {  	_ =	shalt  }
0x7b: {  	_ =	shalt  }
0x7c: {  	_ =	shalt  }
0x7d: {  	_ =	shalt  }
0x7e: {  	_ =	shalt  }
0x7f: {  	_ =	shalt  }
0x80: {  	_ =	shalt  }
0x81: {  	_ =	shalt  }
0x82: {  	_ =	shalt  }
0x83: {  	_ =	shalt  }
0x84: {  	_ =	shalt  }
0x85: {  	_ =	shalt  }
0x86: {  	_ =	shalt  }
0x87: {  	_ =	shalt  }
.Lfunc_end0:
.L_simem_size_0:
called_computation_lowered:
.L_overlay_start_0:
0x88: {  	s2 =	sld [smem:$0x3FD9]  }
0x89: {  	s3 =	sld [smem:$0x3FFE];
	_ =	sdelay $0x1  }
0x8a: {  	s1 =	srdreg.scid  }
0x8b: {  	s0 =	sand.u32 $0x1, s1  }
0x8c: {  	s16 =	sshll.u32 s0, $0xA;
	s2 =	sadd.s32 s3, s2  }
0x8d: {  	s2 =	sadd.s32 s2, s16  }
0x8e: {  	[smem:$0x3FC5] =	sst s2  }
0x8f: {  	_ = 	snop  }
0x90: {  	(tm) =	ssettm $0x1  }
0x91: {  	s17 =	sld [smem:$0x3FFB];
	_ =	sdelay $0x3  }
0x92: {  	_ =	strace s17  }
0x93: {  	s2 =	sld [smem:$0x3FFC];
	_ =	sdelay $0x3  }
0x94: {  	_ =	strace s2  }
0x95: {  	s2 =	sld [smem:$0x3FFD];
	_ =	sdelay $0x3  }
0x96: {  	_ =	strace s2  }
0x97: {  	_ =	strace $0x8FFFFFFF  }
0x98: {  	s18 =	sld [smem:$0x3FDB];
	_ =	sdelay $0x1  }
0x99: {  	s19 =	simm.s32 $_scs_section_size  }
0x9a: {  	s4 =	simm.s32 $_size__tile_overlayer_lowered;
	s5 =	simm.s32 $_tile_overlayer_lowered  }
0x9b: {  	s22 =	simm.s32 $0x1BFF;
	s21 =	sshll.u32 s5, $0x1;
	s2 =	sadd.s32 s19, s18  }
0x9c: {  	s6 =	simm.s32 $0x0;
	s20 =	sshll.u32 s4, $0x1;
	s4 =	sadd.s32 s21, s2  }
0x9d: {  	[timem:s6], [sflag:s22] =	dma.local [hbm:s4], s20  }
0x9e: {  	_ =	swait.ge [sflag:s22], s20  }
0x9f: {  	s3 =	ssub.s32 $0x0, s20;
	[sflag:s22] =	ssyncset.done $0x0  }
0xa0: {  	[sflag:s22] =	ssyncadd.s32 s3;
	_ =	sdelay $0x1  }
0xa1: {  	s23 =	simm.s32 $0x1B8B  }
0xa2: {  	_ =	swait.ge [sflag:s23], $0x1  }
0xa3: {  	[sflag:s23] =	ssyncset.done $0x0  }
0xa4: {  	s25 =	simm.s32 $0x1B8E;
	s24 =	sld [smem:$0x3FFE];
	[sflag:s23] =	ssyncadd.s32 $0xFFFFFFFF  }
0xa5: {  	s26 =	simm.s32 $execute0_lowered;
	[smem:$0x3FD2] =	sst s25  }
0xa6: {  	s4 =	sshll.u32 s26, $0x1;
	_ =	strace $0x8000004C;
	[dreg:$0x1] =	wrdreg $0xFFFFFFFF  }
0xa7: {  	s28 =	simm.s32 $_size_execute0_lowered;
	s2 =	sadd.s32 s2, s4;
	[dreg:$0x0] =	wrdreg $0x0  }
0xa8: {  	s4 =	sshll.u32 s28, $0x1;
	[dreg:$0x2] =	wrdreg s2  }
0xa9: {  	[dreg:$0x3] =	wrdreg s4  }
0xaa: {  	[dreg:$0x4] =	wrdreg $0xC0  }
0xab: {  	_ =	task [dreg:s6], $0x5FFFF  }
0xac: {  	[dreg:$0x1] =	wrdreg $0xFFFFFFFF  }
0xad: {  	[dreg:$0x0] =	wrdreg $0x60  }
0xae: {  	[dreg:$0x2] =	wrdreg s24  }
0xaf: {  	[dreg:$0x3] =	wrdreg $0x9  }
0xb0: {  	_ =	task.clear_ibuf [dreg:s6], $0x4FFFF;
	_ =	strace $0x9000004C  }
0xb1: {  	s29 =	simm.s32 $0x9;
	_ =	strace $0x8000004E  }
0xb2: {  	_ =	swait.ge [sflag:s29], $0x1  }
0xb3: {  	[sflag:s29] =	ssyncadd.s32 $0xFFFFFFFF  }
0xb4: {  	_ =	strace $0x9000004E  }
0xb5: {  	_ =	sfence  }
0xb6: {  	s30 =	sld [smem:$0x0];
	_ =	sdelay $0x2  }
0xb7: {  	s31 =	sshll.u32 s1, $0xD;
	s1 =	sshrl.u32 s1, $0x2  }
0xb8: {  	s3 =	sand.u32 $0x4000, s31;
	s1 =	sadd.s32 s1, s30  }
0xb9: {  	s0 =	sor.u32 s3, s0;
	s1 =	sshll.u32 s1, $0x11  }
0xba: {  	s0 =	sor.u32 s1, s0  }
0xbb: {  	s0 =	sadd.s32 $0x8F2B, s0  }
0xbc: {  	[sflag:s0] =	ssyncadd.remote.s32 $0x1  }
0xbd: {  	_ =	sfence.sel $0xFFFF  }
0xbe: {  	[dreg:$0x0] =	wrdreg $0xFFFFFFFF;
	(pc) =	sbr.abs _section_cstart, $3  }
0xbf: {  	[dreg:$0x1] =	wrdreg $0xFFFFFFFF  }
0xc0: {  	_ =	task.clear_ibuf [dreg:s6], $0x2FFFF;
	_ =	strace $0x9FFFFFFF  }
0xc1: {  	(tm) =	ssettm $0x7FFFFFFF  }
tec
execute0_lowered:
.L_overlay_start_1:
0x0: {  	(tag) =	ssettag $0x1  }
0x1: {  	s0 =	stileid.u32  }
0x2: {  	s1 =	srdreg.scid;
	s2 =	rddreg [dreg:$0x0]  }
0x3: {  	s5 =	simm.s32 $0x1;
	s8 =	simm.s32 $0x1;
	s9 =	simm.s32 $0x3  }
0x4: {  	s10 =	simm.s32 $0x0;
	s3 =	sand.u32 $0x1, s1;
	s4 =	sshll.u32 s0, $0x1  }
0x5: {  	s13 =	simm.s32 $0x0;
	s12 =	simm.s32 $0x0;
	s6 =	sor.u32 s4, s3  }
0x6: {  	s1 =	rddreg [dreg:$0x1];
	_ =	strace $0x8000004D;
	s4 =	smul.u32 $0x190, s6  }
0x7: {  	s3 =	sadd.s32 $0x2800, s2;
	p0 =	slt.u32 s6, $0x9;
	s6 =	simm.s32 $0x3200  }
.Ltmp0:
0x8: {  	s6 =	simm.s32 @!p0 $0x0;
	s7 =	ssub.s32 $0x3E80, s4;
	(pc) =	sbr.rel .LBB2_1-.Ltmp0, $4  }
0x9: {  	s8 =	simm.s32 @!p0 $0x0;
	p0 =	sne.s32 s7, s6;
	s7 =	simm.s32 $0x1  }
0xa: {  	[sflag:s5] =	ssyncpa.u1 $0x0;
	s6 =	simm.s32 $0x2;
	s7 =	simm.s32 @!p0 $0x0  }
0xb: {  	s11 =	smov.u32 s4;
	[sflag:s6] =	ssyncpa.u1 $0x0;
	s7 =	sadd.s32 s8, s7  }
0xc: {  	vm0 =	vmmov $0xffff;
	s8 =	sadd.s32 $0x3000, s2;
	[sflag:s9] =	ssyncpa.u1 $0x0;
	s9 =	sadd.s32 $0x1, s7  }
.LBB2_4:
0xd: {  	vm1 =	veq.s32 v0, $0x80000000;
	v63 =	vand.u32 $0x7F, v0;
	v2 =	vand.u32 $0x3FF, v2  }
0xe: {  	v0 =	vsel vm1, $0xFFFFFFFF, v63;
	v2 =	vsel vm1, $0xFFFFFFFF, v2  }
0xf: {  	v3 =	vshll.u32 v0, $0xA;
	v4 =	vshll.u32 v2, $0x3  }
0x10: {  	v0 =	vshll.u32 v0, $0x7;
	v3 =	vand.u32 $0xFFFFE000, v3;
	v4 =	vand.u32 $0xFFFFFC00, v4  }
0x11: {  	v0 =	vand.u32 $0x380, v0;
	v3 =	vadd.s32 v3, v4  }
0x12: {  	v2 =	vand.u32 $0x7F, v2;
	v0 =	vor.u32 v0, v3  }
0x13: {  	v0 =	vor.u32 v2, v0;
	_ =	sdelay $0x1  }
0x14: {  	(ifvalue) =	ssetifvalue $0x7FFFFFFF;
	s15 =	sadd.s32 $0x10, s15  }
0x15: {  	[tilespmem:s15], [sflag:$0x1] =	stream.indirect_vreg.gather [hbm4b:s2+s10], $0x1, v1, vm0, $0x4038;
	[tilespmem:$0x640] =	vst v63  }
0x16: {  	(ifvalue) =	ssetifvalue $0x7FFFFFFF;
	s15 =	sadd.s32 $0x10, s15  }
0x17: {  	[tilespmem:s15], [sflag:$0x1] =	stream.indirect_vreg.gather [hbm4b:s2+s10], $0x1, v0, vm0, $0x4038;
	[tilespmem:$0x640] =	vst v63  }
0x18: {  	_ =	swait.ge [sflag:s5], $0x190  }
0x19: {  	s30 =	sshrl.u32 s13, $0x3;
	[sflag:s5] =	ssyncset.done $0x0  }
0x1a: {  	s31 =	sand.u32 $0x7, s13;
	s15 =	sadd.s32 s8, s30;
	[sflag:s5] =	ssyncadd.s32 $0xFFFFFE70  }
0x1b: {  	[hbm4b:s15+s31] =	stream.linear.scatter [tilespmem:s14], [sflag:$0x3], $0x190, $0x38;
	[tilespmem:$0x640] =	vst v63  }
.LBB2_5:
0x1c: {  	s15 =	sadd.s32 $0x3200, s11  }
0x1d: {  	p1 =	sgt.s32 s15, $0x3E7F  }
0x1e: {  	s15 =	smov.u32 @p1 s4;
	p1 =	sne.s32 s12, s9  }
.Ltmp1:
0x1f: {  	p0 =	slt.u32 s12, $0x2;
	(pc) =	sbr.rel @!p1 .LBB2_6-.Ltmp1, $4  }
0x20: {  	s14 =	simm.s32 @!p0 $0x3  }
0x21: {  	_ =	swait.ge @!p0 [sflag:s14], $0x190  }
0x22: {  	s16 =	sadd.s32 $0x1, s12;
	s13 =	smov.u32 s11;
	[sflag:s14] =	ssyncset.done @!p0 $0x0  }
0x23: {  	s12 =	smov.u32 s16;
	s11 =	smov.u32 s15;
	[sflag:s14] =	ssyncadd.s32 @!p0 $0xFFFFFE70  }
.LBB2_1:
0x24: {  	p0 =	sge.u32 s12, s7  }
0x25: {  	s14 =	sxor.u32 @!p0 $0x1, s12  }
0x26: {  	s14 =	smul.u32 @!p0 $0x640, s14  }
0x27: {  	s31 =	sadd.s32 $0xFFFFFFFF, s12;
	s15 =	sshrl.u32 @!p0 s11, $0x3  }
0x28: {  	s16 =	sand.u32 @!p0 $0x7, s11;
	s15 =	sadd.s32 @!p0 s3, s15;
	s14 =	sshra.s32 @!p0 s14, $0x2  }
0x29: {  	[tilespmem:s14], [sflag:$0x2] =	stream.linear.gather @!p0 [hbm4b:s15+s16], $0x190, $0x38;
	[tilespmem:$0x640] =	vst v63  }
0x2a: {  	p0 =	sge.u32 s31, s7  }
.Ltmp2:
0x2b: {  	_ = 	snop;
	(pc) =	sbr.rel @p0 .LBB2_5-.Ltmp2, $1  }
0x2c: {  	_ =	sdelay $0x3  }
0x2d: {  	s14 =	sand.u32 $0x1, s12  }
0x2e: {  	_ =	swait.ge [sflag:s6], $0x190;
	p0 =	seq.s32 s14, $0x1;
	s14 =	simm.s32 $0x190  }
0x2f: {  	[sflag:s6] =	ssyncset.done $0x0;
	s14 =	simm.s32 @!p0 $0x0  }
0x30: {  	[sflag:s6] =	ssyncadd.s32 $0xFFFFFE70;
	(ifvalue) =	ssetifvalue $0x7FFFFFFF;
	v0 =	vld.msk [tilespmem:s14+$0x0 ss:$0x1], $0xffff;
	_ =	sdelay $0x3  }
0x31: {  	s15 =	sadd.s32 $0x10, s14  }
0x32: {  	v2 =	vld.msk [tilespmem:s15+$0x0 ss:$0x1], $0xffff;
	v1 =	vshrl.u32 v0, $0x7  }
0x33: {  	vm1 =	veq.s32 v0, $0x80000000;
	v0 =	vand.u32 $0x7F, v0;
	v1 =	vand.u32 $0x3FF, v1  }
0x34: {  	v0 =	vsel vm1, $0xFFFFFFFF, v0;
	v1 =	vsel vm1, $0xFFFFFFFF, v1  }
0x35: {  	v3 =	vshll.u32 v0, $0xA;
	v4 =	vshll.u32 v1, $0x3  }
0x36: {  	v0 =	vshll.u32 v0, $0x7;
	v3 =	vand.u32 $0xFFFFE000, v3;
	v4 =	vand.u32 $0xFFFFFC00, v4  }
0x37: {  	vm1 =	veq.s32 v2, $0x80000000;
	v0 =	vand.u32 $0x380, v0;
	v3 =	vadd.s32 v3, v4  }
0x38: {  	v1 =	vand.u32 $0x7F, v1;
	v0 =	vor.u32 v0, v3;
	v3 =	vshrl.u32 v2, $0x7  }
0x39: {  	s15 =	sadd.s32 $0x10, s15;
	v2 =	vand.u32 $0x7F, v2;
	v1 =	vor.u32 v1, v0;
	v3 =	vand.u32 $0x3FF, v3  }
0x3a: {  	v0 =	vld.msk [tilespmem:s15+$0x0 ss:$0x1], $0xffff;
	v2 =	vsel vm1, $0xFFFFFFFF, v2;
	v3 =	vsel vm1, $0xFFFFFFFF, v3  }
0x3b: {  	v63 =	vshll.u32 v2, $0xA;
	v5 =	vshll.u32 v3, $0x3  }
0x3c: {  	v2 =	vshll.u32 v2, $0x7;
	v4 =	vand.u32 $0xFFFFE000, v63;
	v5 =	vand.u32 $0xFFFFFC00, v5  }
0x3d: {  	s14 =	sadd.s32 $0x320, s14;
	(ifvalue) =	ssetifvalue $0x7FFFFFFF;
	v2 =	vand.u32 $0x380, v2;
	v4 =	vadd.s32 v4, v5  }
0x3e: {  	[tilespmem:s14], [sflag:$0x1] =	stream.indirect_vreg.gather [hbm4b:s2+s10], $0x1, v1, vm0, $0x4038;
	v1 =	vand.u32 $0x7F, v3;
	v3 =	vor.u32 v2, v4;
	[tilespmem:$0x640] =	vst v63  }
0x3f: {  	s16 =	simm.s32 $0x20;
	s17 =	sadd.s32 $0x10, s15;
	s15 =	smov.u32 s14;
	v2 =	vshrl.u32 v0, $0x7;
	v1 =	vor.u32 v1, v3  }
.LBB2_3:
0x40: {  	s16 =	sadd.s32 $0x10, s16;
	vm1 =	veq.s32 v0, $0x80000000;
	v3 =	vand.u32 $0x7F, v0;
	v0 =	vld.msk [tilespmem:s17+$0x0 ss:$0x1], $0xffff;
	v2 =	vand.u32 $0x3FF, v2  }
0x41: {  	p0 =	slt.u32 s16, $0x180;
	v3 =	vsel vm1, $0xFFFFFFFF, v3;
	v2 =	vsel vm1, $0xFFFFFFFF, v2  }
.Ltmp3:
0x42: {  	v4 =	vshll.u32 v3, $0xA;
	v5 =	vshll.u32 v2, $0x3;
	(pc) =	sbr.rel @p0 .LBB2_3-.Ltmp3, $4  }
0x43: {  	s15 =	sadd.s32 $0x10, s15;
	v3 =	vshll.u32 v3, $0x7;
	v4 =	vand.u32 $0xFFFFE000, v4;
	v5 =	vand.u32 $0xFFFFFC00, v5;
	(ifvalue) =	ssetifvalue $0x7FFFFFFF  }
0x44: {  	v3 =	vand.u32 $0x380, v3;
	v4 =	vadd.s32 v4, v5;
	[tilespmem:s15], [sflag:$0x1] =	stream.indirect_vreg.gather [hbm4b:s2+s10], $0x1, v1, vm0, $0x4038;
	[tilespmem:$0x640] =	vst v63  }
0x45: {  	v1 =	vand.u32 $0x7F, v2;
	v3 =	vor.u32 v3, v4  }
0x46: {  	s17 =	sadd.s32 $0x10, s17;
	v2 =	vshrl.u32 v0, $0x7;
	v1 =	vor.u32 v1, v3  }
.Ltmp4:
0x47: {  	_ = 	snop;
	(pc) =	sbr.rel .LBB2_4-.Ltmp4, $1  }
0x48: {  	_ =	sdelay $0x3  }
.LBB2_6:
0x49: {  	_ =	sfence.sel $0x180000  }
0x4a: {  	s2 =	simm.s32 $0x2;
	[bflag:$0x0] =	sbarrier.arrive $0xFFFF  }
0x4b: {  	s30 =	simm.s32 $0x3;
	[sflag:s2] =	ssyncpa.u1 $0x1  }
0x4c: {  	s31 =	simm.s32 $0x1;
	[sflag:s30] =	ssyncpa.u1 $0x1  }
0x4d: {  	[sflag:s31] =	ssyncpa.u1 $0x1  }
0x4e: {  	p0 =	sne.s32 s0, $0x0;
	_ =	strace $0x9000004D  }
0x4f: {  	s0 =	sadd.s32 @!p0 $0x100000, s1;
	[bflag:$0x2] =	sbarrier.arrive $0xFFFF  }
0x50: {  	[sflag:s0] =	ssyncadd.tile.s32 @!p0 $0x1;
	_ =	shalt  }
.Lfunc_end2:
_tile_overlayer_lowered:
.L_overlay_start_2:
0x51: {  	(tag) =	ssettag $0x2  }
0x52: {  	s0 =	rddreg [dreg:$0x0];
	s2 =	stileid.u32  }
0x53: {  	s1 =	rddreg [dreg:$0x1];
	p0 =	sne.s32 s2, $0x0  }
0x54: {  	s3 =	rddreg [dreg:$0x2];
	[bflag:$0x3] =	sbarrier.arrive $0xFFFF;
	s2 =	simm.s32 @!p0 $0x1C01  }
0x55: {  	[timem:s3], [sflag:s2] =	dma.local @!p0 [hbm:s0], s1  }
0x56: {  	s0 =	simm.s32 @!p0 $0x1  }
0x57: {  	_ =	swait.ge @!p0 [sflag:s0], s1  }
0x58: {  	s1 =	ssub.s32 @!p0 $0x0, s1;
	[sflag:s0] =	ssyncset.done @!p0 $0x0  }
0x59: {  	[sflag:s0] =	ssyncadd.s32 @!p0 s1  }
0x5a: {  	[bflag:$0x3] =	sbarrier.arrive $0xFFFF  }
0x5b: {  	_ =	shalt  }

// kernel: kernel.6.cloned.1.call-start
scs
__scs_entry_jumppad:
0x0: {  	(pc) =	sbr.rel $0x88, $3  }
0x1: {  	(tag) =	ssettag $0x0;
	lr =	simm.s32 $0x1  }
0x2: {  	[smem:$0x3F9E] =	sst lr;
	_ =	strace $0xD0000000  }
0x3: {  	_ = 	snop  }
0x4: {  	_ = 	snop  }
0x5: {  	_ = 	snop  }
0x6: {  	_ = 	snop  }
0x7: {  	_ = 	snop  }
__scs_overlays_trampoline_lowered:
0x8: {  	[smem:$0x3FAD] =	sst s0  }
0x9: {  	[smem:$0x3FAE] =	sst s1  }
0xa: {  	[smem:$0x3FAF] =	sst s2  }
0xb: {  	[smem:$0x3FB0] =	sst s3  }
0xc: {  	[smem:$0x3FB1] =	sst s4  }
0xd: {  	[smem:$0x3FB2] =	sst s5  }
0xe: {  	[smem:$0x3FB3] =	sst s6  }
0xf: {  	[smem:$0x3FB4] =	sst s7  }
0x10: {  	[smem:$0x3FB5] =	sst s8  }
0x11: {  	[smem:$0x3FB6] =	sst s9;
	s0 =	simm.s32 @!p0 $0x0  }
0x12: {  	s1 =	sld [smem:$0x3F9C];
	s0 =	simm.s32 @p0 $0x1  }
0x13: {  	[smem:$0x3FB7] =	sst s0;
	s0 =	simm.s32 @!p1 $0x0  }
0x14: {  	s2 =	sld [smem:$0x3F9B];
	s0 =	simm.s32 @p1 $0x1  }
0x15: {  	[smem:$0x3FB8] =	sst s0;
	s0 =	simm.s32 @!p2 $0x0  }
0x16: {  	s3 =	sld [smem:$0x3FDB];
	s0 =	simm.s32 @p2 $0x1  }
0x17: {  	s4 =	simm.s32 $0x1BF5;
	[smem:$0x3FBA] =	sst s0  }
0x18: {  	s0 =	sld [smem:$0x3F9D];
	_ =	swait.ge [sflag:s4], $0x0  }
0x19: {  	s7 =	sld [smem:$0x3F9E]  }
0x1a: {  	s8 =	sadd.s32 $0xFFFFE003, lr  }
0x1b: {  	s9 =	sadd.s32 $0xFFFFFEF7, lr;
	s5 =	simm.s32 $0xFFFFFFFF;
	p2 =	slt.u32 s8, $0xFFFFF086  }
0x1c: {  	p1 =	slt.u32 s9, $0xF7A;
	s5 =	simm.s32 @!p2 $0x0  }
0x1d: {  	s5 =	simm.s32 @p1 $0x1;
	p0 =	seq.s32 s7, s2  }
0x1e: {  	s7 =	smul.u32 @!p0 $0xF7A, s2;
	p2 =	seq.s32 @!p0 s5, $0x0  }
0x1f: {  	s9 =	smul.u32 $0xF7A, s1;
	s8 =	simm.s32 @!p0 $0x1BF5;
	p2 =	por !p2, p0  }
0x20: {  	[sflag:s8] =	ssyncset.s32 @!p0 $0xFFFFF086;
	s6 =	sadd.s32 @!p0 s3, s7;
	s7 =	simm.s32 @!p0 $0x108  }
0x21: {  	s3 =	sadd.s32 s3, s9;
	s6 =	sadd.s32 @!p0 $0x88, s6;
	s7 =	simm.s32 @p2 $0x1082  }
0x22: {  	[simem:s7], [sflag:s8] =	dma.local @!p0 [hbm:s6], $0xF7A  }
0x23: {  	s9 =	sor.u32 $0xD0000000, s2;
	s6 =	simm.s32 $0x108;
	_ =	swait.ge @!p0 [sflag:s8], $0x0  }
0x24: {  	s3 =	sadd.s32 $0x88, s3;
	s6 =	simm.s32 @!p1 $0x1082;
	[sflag:s4] =	ssyncset.s32 $0xFFFFF086  }
0x25: {  	[simem:s6], [sflag:s4] =	dma.local [hbm:s3], $0xF7A  }
0x26: {  	[smem:$0x3F9E] =	sst s1;
	(tag) =	ssettag s2;
	_ =	strace s9  }
0x27: {  	s1 =	sld [smem:$0x3FAE]  }
0x28: {  	s2 =	sld [smem:$0x3FAF]  }
0x29: {  	s4 =	sld [smem:$0x3FB1]  }
0x2a: {  	p0 =	seq.s32 s5, $0x0;
	s5 =	sld [smem:$0x3FB2]  }
0x2b: {  	s6 =	sld [smem:$0x3FB3]  }
0x2c: {  	s7 =	sld [smem:$0x3FB4]  }
0x2d: {  	s3 =	simm.s32 $0x108;
	s8 =	sld [smem:$0x3FB5]  }
0x2e: {  	s3 =	simm.s32 @!p0 $0x1082;
	s9 =	sld [smem:$0x3FB6]  }
0x2f: {  	lr =	sadd.s32 s0, s3;
	s0 =	sld [smem:$0x3FAD]  }
0x30: {  	s3 =	sld [smem:$0x3FB0]  }
0x31: {  	[smem:$0x3FB9] =	sst s10  }
0x32: {  	s10 =	sld [smem:$0x3FB7];
	_ =	sdelay $0x3  }
0x33: {  	p0 =	seq.s32 s10, $0x1;
	s10 =	sld [smem:$0x3FB9];
	_ =	sdelay $0x3  }
0x34: {  	[smem:$0x3FB9] =	sst s10  }
0x35: {  	s10 =	sld [smem:$0x3FB8];
	_ =	sdelay $0x3  }
0x36: {  	p1 =	seq.s32 s10, $0x1;
	s10 =	sld [smem:$0x3FB9];
	_ =	sdelay $0x3  }
0x37: {  	[smem:$0x3FB9] =	sst s10  }
0x38: {  	s10 =	sld [smem:$0x3FBA]  }
0x39: {  	_ = 	snop;
	(pc) =	sbr.ind lr, $3  }
0x3a: {  	_ = 	snop  }
0x3b: {  	_ = 	snop  }
0x3c: {  	p2 =	seq.s32 s10, $0x1;
	s10 =	sld [smem:$0x3FB9]  }
0x3d: {  	_ =	shalt  }
0x3e: {  	_ =	shalt  }
0x3f: {  	_ =	shalt  }
0x40: {  	_ =	shalt  }
0x41: {  	_ =	shalt  }
0x42: {  	_ =	shalt  }
0x43: {  	_ =	shalt  }
0x44: {  	_ =	shalt  }
0x45: {  	_ =	shalt  }
0x46: {  	_ =	shalt  }
0x47: {  	_ =	shalt  }
0x48: {  	_ =	shalt  }
0x49: {  	_ =	shalt  }
0x4a: {  	_ =	shalt  }
0x4b: {  	_ =	shalt  }
0x4c: {  	_ =	shalt  }
0x4d: {  	_ =	shalt  }
0x4e: {  	_ =	shalt  }
0x4f: {  	_ =	shalt  }
0x50: {  	_ =	shalt  }
0x51: {  	_ =	shalt  }
0x52: {  	_ =	shalt  }
0x53: {  	_ =	shalt  }
0x54: {  	_ =	shalt  }
0x55: {  	_ =	shalt  }
0x56: {  	_ =	shalt  }
0x57: {  	_ =	shalt  }
0x58: {  	_ =	shalt  }
0x59: {  	_ =	shalt  }
0x5a: {  	_ =	shalt  }
0x5b: {  	_ =	shalt  }
0x5c: {  	_ =	shalt  }
0x5d: {  	_ =	shalt  }
0x5e: {  	_ =	shalt  }
0x5f: {  	_ =	shalt  }
0x60: {  	_ =	shalt  }
0x61: {  	_ =	shalt  }
0x62: {  	_ =	shalt  }
0x63: {  	_ =	shalt  }
0x64: {  	_ =	shalt  }
0x65: {  	_ =	shalt  }
0x66: {  	_ =	shalt  }
0x67: {  	_ =	shalt  }
0x68: {  	_ =	shalt  }
0x69: {  	_ =	shalt  }
0x6a: {  	_ =	shalt  }
0x6b: {  	_ =	shalt  }
0x6c: {  	_ =	shalt  }
0x6d: {  	_ =	shalt  }
0x6e: {  	_ =	shalt  }
0x6f: {  	_ =	shalt  }
0x70: {  	_ =	shalt  }
0x71: {  	_ =	shalt  }
0x72: {  	_ =	shalt  }
0x73: {  	_ =	shalt  }
0x74: {  	_ =	shalt  }
0x75: {  	_ =	shalt  }
0x76: {  	_ =	shalt  }
0x77: {  	_ =	shalt  }
0x78: {  	_ =	shalt  }
0x79: {  	_ =	shalt  }
0x7a: {  	_ =	shalt  }
0x7b: {  	_ =	shalt  }
0x7c: {  	_ =	shalt  }
0x7d: {  	_ =	shalt  }
0x7e: {  	_ =	shalt  }
0x7f: {  	_ =	shalt  }
0x80: {  	_ =	shalt  }
0x81: {  	_ =	shalt  }
0x82: {  	_ =	shalt  }
0x83: {  	_ =	shalt  }
0x84: {  	_ =	shalt  }
0x85: {  	_ =	shalt  }
0x86: {  	_ =	shalt  }
0x87: {  	_ =	shalt  }
.Lfunc_end0:
.L_simem_size_0:
called_computation.1_lowered:
.L_overlay_start_0:
0x88: {  	s2 =	sld [smem:$0x3FD9]  }
0x89: {  	s3 =	sld [smem:$0x3FFE];
	_ =	sdelay $0x1  }
0x8a: {  	s1 =	srdreg.scid  }
0x8b: {  	s0 =	sand.u32 $0x1, s1  }
0x8c: {  	s16 =	sshll.u32 s0, $0xA;
	s2 =	sadd.s32 s3, s2  }
0x8d: {  	s2 =	sadd.s32 s2, s16  }
0x8e: {  	[smem:$0x3FC5] =	sst s2  }
0x8f: {  	_ = 	snop  }
0x90: {  	(tm) =	ssettm $0x1  }
0x91: {  	s17 =	sld [smem:$0x3FFB];
	_ =	sdelay $0x3  }
0x92: {  	_ =	strace s17  }
0x93: {  	s2 =	sld [smem:$0x3FFC];
	_ =	sdelay $0x3  }
0x94: {  	_ =	strace s2  }
0x95: {  	s2 =	sld [smem:$0x3FFD];
	_ =	sdelay $0x3  }
0x96: {  	_ =	strace s2  }
0x97: {  	_ =	strace $0x8FFFFFFF  }
0x98: {  	s18 =	sld [smem:$0x3FDB];
	_ =	sdelay $0x1  }
0x99: {  	s19 =	simm.s32 $_scs_section_size  }
0x9a: {  	s4 =	simm.s32 $_size__tile_overlayer_lowered;
	s5 =	simm.s32 $_tile_overlayer_lowered  }
0x9b: {  	s22 =	simm.s32 $0x1BFF;
	s21 =	sshll.u32 s5, $0x1;
	s2 =	sadd.s32 s19, s18  }
0x9c: {  	s6 =	simm.s32 $0x0;
	s20 =	sshll.u32 s4, $0x1;
	s4 =	sadd.s32 s21, s2  }
0x9d: {  	[timem:s6], [sflag:s22] =	dma.local [hbm:s4], s20  }
0x9e: {  	_ =	swait.ge [sflag:s22], s20  }
0x9f: {  	s3 =	ssub.s32 $0x0, s20;
	[sflag:s22] =	ssyncset.done $0x0  }
0xa0: {  	[sflag:s22] =	ssyncadd.s32 s3;
	_ =	sdelay $0x1  }
0xa1: {  	s23 =	simm.s32 $0x1B8B  }
0xa2: {  	_ =	swait.ge [sflag:s23], $0x1  }
0xa3: {  	[sflag:s23] =	ssyncset.done $0x0  }
0xa4: {  	s25 =	simm.s32 $0x1B8E;
	s24 =	sld [smem:$0x3FFE];
	[sflag:s23] =	ssyncadd.s32 $0xFFFFFFFF  }
0xa5: {  	s26 =	simm.s32 $execute0_lowered;
	[smem:$0x3FD2] =	sst s25  }
0xa6: {  	s4 =	sshll.u32 s26, $0x1;
	_ =	strace $0x80000046;
	[dreg:$0x1] =	wrdreg $0xFFFFFFFF  }
0xa7: {  	s28 =	simm.s32 $_size_execute0_lowered;
	s2 =	sadd.s32 s2, s4;
	[dreg:$0x0] =	wrdreg $0x0  }
0xa8: {  	s4 =	sshll.u32 s28, $0x1;
	[dreg:$0x2] =	wrdreg s2  }
0xa9: {  	[dreg:$0x3] =	wrdreg s4  }
0xaa: {  	[dreg:$0x4] =	wrdreg $0xC0  }
0xab: {  	_ =	task [dreg:s6], $0x5FFFF  }
0xac: {  	[dreg:$0x1] =	wrdreg $0xFFFFFFFF  }
0xad: {  	[dreg:$0x0] =	wrdreg $0x60  }
0xae: {  	[dreg:$0x2] =	wrdreg s24  }
0xaf: {  	[dreg:$0x3] =	wrdreg $0x9  }
0xb0: {  	_ =	task.clear_ibuf [dreg:s6], $0x4FFFF;
	_ =	strace $0x90000046  }
0xb1: {  	s29 =	simm.s32 $0x9;
	_ =	strace $0x80000048  }
0xb2: {  	_ =	swait.ge [sflag:s29], $0x1  }
0xb3: {  	[sflag:s29] =	ssyncadd.s32 $0xFFFFFFFF  }
0xb4: {  	_ =	strace $0x90000048  }
0xb5: {  	_ =	sfence  }
0xb6: {  	s30 =	sld [smem:$0x0];
	_ =	sdelay $0x2  }
0xb7: {  	s31 =	sshll.u32 s1, $0xD;
	s1 =	sshrl.u32 s1, $0x2  }
0xb8: {  	s3 =	sand.u32 $0x4000, s31;
	s1 =	sadd.s32 s1, s30  }
0xb9: {  	s0 =	sor.u32 s3, s0;
	s1 =	sshll.u32 s1, $0x11  }
0xba: {  	s0 =	sor.u32 s1, s0  }
0xbb: {  	s0 =	sadd.s32 $0x8F2B, s0  }
0xbc: {  	[sflag:s0] =	ssyncadd.remote.s32 $0x1  }
0xbd: {  	_ =	sfence.sel $0xFFFF  }
0xbe: {  	[dreg:$0x0] =	wrdreg $0xFFFFFFFF;
	(pc) =	sbr.abs _section_cstart, $3  }
0xbf: {  	[dreg:$0x1] =	wrdreg $0xFFFFFFFF  }
0xc0: {  	_ =	task.clear_ibuf [dreg:s6], $0x2FFFF;
	_ =	strace $0x9FFFFFFF  }
0xc1: {  	(tm) =	ssettm $0x7FFFFFFF  }
tec
execute0_lowered:
.L_overlay_start_1:
0x0: {  	(tag) =	ssettag $0x1  }
0x1: {  	s3 =	rddreg [dreg:$0x0]  }
0x2: {  	s0 =	rddreg [dreg:$0x1]  }
0x3: {  	s2 =	simm.s32 $0x0;
	s4 =	srdreg.scid;
	s1 =	stileid.u32  }
0x4: {  	s20 =	simm.s32 $0x0;
	[smem:$0x7FF] =	sst s2;
	s4 =	sand.u32 $0x1, s4  }
0x5: {  	s5 =	sshll.u32 s1, $0x1;
	s11 =	sadd.s32 $0x36000, s3;
	s12 =	sadd.s32 $0x67A00, s3  }
0x6: {  	s13 =	sadd.s32 $0x6A200, s3;
	s14 =	sadd.s32 $0x67800, s3;
	s6 =	sor.u32 s4, s5  }
0x7: {  	_ =	strace $0x80000047;
	s4 =	ssub.s32 $0x2, s4;
	s5 =	smul.u32 $0x4E20, s6  }
0x8: {  	s28 =	sshrl.u32 s4, $0x1;
	s9 =	sor.u32 $0x20, s6;
	s30 =	sshll.u32 s6, $0x7  }
0x9: {  	s8 =	smin.u32 s6, $0xF;
	s6 =	sshll.u32 s6, $0x1;
	s15 =	ssub.s32 s4, s28  }
0xa: {  	s7 =	smul.u32 $0x4E20, s9;
	s4 =	sadd.s32 s12, s30;
	s16 =	sor.u32 $0x40, s8  }
0xb: {  	s6 =	sadd.s32 s14, s6;
	s17 =	sshll.u32 s9, $0x7;
	s18 =	sshll.u32 s9, $0x1  }
0xc: {  	s29 =	sshrl.u32 s5, $0x3;
	s5 =	sadd.s32 s13, s30;
	s10 =	smul.u32 $0x4E20, s16  }
0xd: {  	s8 =	sadd.s32 s12, s17;
	s9 =	sadd.s32 s13, s17;
	s31 =	sshll.u32 s16, $0x7  }
0xe: {  	s16 =	sshll.u32 s16, $0x1;
	s15 =	smax.u32 s15, $0x1;
	s17 =	simm.s32 $0x4E20  }
0xf: {  	s3 =	sadd.s32 s11, s29;
	s7 =	sshrl.u32 s7, $0x3;
	s12 =	sadd.s32 s12, s31  }
0x10: {  	s13 =	sadd.s32 s13, s31;
	s3 =	sadd.s32 $0x9C4, s3;
	s7 =	sadd.s32 s11, s7  }
0x11: {  	s19 =	sshrl.u32 s10, $0x3;
	s10 =	sadd.s32 s14, s18;
	s14 =	sadd.s32 s14, s16  }
0x12: {  	s16 =	simm.s32 $0x1;
	s18 =	simm.s32 $0x5220;
	s11 =	sadd.s32 s11, s19  }
0x13: {  	v0 =	vlaneseq.u32;
	v1 =	vimm.s32 $0x0;
	v2 =	vimm.f32 $0.0e+00;
	s7 =	sadd.s32 $0x9C4, s7;
	s19 =	simm.s32 $0x5620;
	s11 =	sadd.s32 $0x9C4, s11  }
.LBB2_1:
0x14: {  	[tilespmem:s2], [sflag:$0x1] =	stream.linear.gather [hbm4b:s3+s2], $0x4E20, $0x38;
	[tilespmem:$0x5630] =	vst v63  }
0x15: {  	_ =	swait.ge [sflag:s16], $0x4E20  }
0x16: {  	[sflag:s16] =	ssyncset.done $0x0  }
0x17: {  	[sflag:s16] =	ssyncadd.s32 $0xFFFFB1E0  }
0x18: {  	v3 =	vld [tilespmem:s2+$0x0];
	_ =	sdelay $0x4  }
0x19: {  	vm0 =	vgt.f32 v3, $5.000000070e-02  }
0x1a: {  	v4 =	vsel vm0, $0x1, v1  }
0x1b: {  	(xrf0) =	vadd.scan.msk.s32 $0xffff, v4;
	_ =	sdelay $0x2  }
0x1c: {  	v5 =	vsel vm0, $0x3F800000, v2;
	v4 =	vmov s2  }
0x1d: {  	(xrf2) =	vadd.scan.msk.f32 $0xffff, v5;
	v4 =	vadd.s32 $0xFFFFFFFF, v4  }
0x1e: {  	v4 =	vbroadcast v4, $0x0  }
0x1f: {  	v5, _, _ =	vpop (xrf0)  }
0x20: {  	v4 =	vadd.s32 v4, v5  }
0x21: {  	vm1 =	vlt.s32 v4, $0x3FF  }
0x22: {  	v4 =	vnsel vm1, $0x3FF, v4;
	_ =	sdelay $0x4  }
0x23: {  	[tilespmem:v4+s17+$0x0] =	vst.idx.msk vm0, v3;
	v3, _, _ =	vpop (xrf2)  }
0x24: {  	(v2sf) =	vpush v3, $0xF;
	_ =	sdelay $0x4  }
0x25: {  	v5 =	vor.u32 s2, v0  }
0x26: {  	s21 =	simm.s32 $0x10;
	[tilespmem:v4+s18+$0x0] =	vst.idx.msk vm0, v5  }
0x27: {  	s23 =	simm.s32 $0x20;
	s22 =	simm.s32 $0x0;
	s24 =	simm.s32 $0x10;
	v3 =	vld [tilespmem:s21+$0x0]  }
.LBB2_2:
0x28: {  	p0 =	sne.s32 s23, $0x4E10;
	_ =	sdelay $0x3  }
0x29: {  	vm0 =	vgt.f32 v3, $5.000000070e-02  }
0x2a: {  	v4 =	vsel vm0, $0x1, v1;
	v5 =	vsel vm0, $0x3F800000, v2  }
0x2b: {  	(xrf2) =	vadd.scan.msk.f32 $0xffff, v5  }
0x2c: {  	s25 =	spop (v2sf)  }
0x2d: {  	(xrf0) =	vadd.scan.msk.s32 $0xffff, v4;
	s25 =	scvt.f32.s32 s25;
	_ =	sdelay $0x1  }
0x2e: {  	s22 =	sadd.s32 s25, s22  }
0x2f: {  	v4 =	vmov s22  }
0x30: {  	v4 =	vadd.s32 $0xFFFFFFFF, v4  }
0x31: {  	v4 =	vbroadcast v4, $0x0  }
0x32: {  	v5, _, _ =	vpop (xrf0)  }
0x33: {  	v4 =	vadd.s32 v4, v5  }
0x34: {  	vm1 =	vlt.s32 v4, $0x3FF;
	v5, _, _ =	vpop (xrf2)  }
0x35: {  	v4 =	vnsel vm1, $0x3FF, v4;
	(v2sf) =	vpush v5, $0xF;
	_ =	sdelay $0x2  }
.Ltmp0:
0x36: {  	(pc) =	sbr.rel @p0 .LBB2_2-.Ltmp0, $4  }
0x37: {  	_ = 	snop  }
0x38: {  	v5 =	vor.u32 s21, v0;
	s21 =	smov.u32 s23;
	[tilespmem:v4+s17+$0x0] =	vst.idx.msk vm0, v3  }
0x39: {  	s24 =	sadd.s32 $0x10, s24;
	[tilespmem:v4+s18+$0x0] =	vst.idx.msk vm0, v5  }
0x3a: {  	s23 =	sadd.s32 $0x10, s23;
	v3 =	vld [tilespmem:s24+$0x0]  }
0x3b: {  	_ =	sdelay $0x3  }
0x3c: {  	vm0 =	vgt.f32 v3, $5.000000070e-02  }
0x3d: {  	v4 =	vsel vm0, $0x3F800000, v2  }
0x3e: {  	(xrf2) =	vadd.scan.msk.f32 $0xffff, v4;
	_ =	sdelay $0x9  }
0x3f: {  	v4, _, _ =	vpop (xrf2)  }
0x40: {  	(v2sf) =	vpush v4, $0xF;
	_ =	sdelay $0x2  }
0x41: {  	s23 =	spop (v2sf);
	v4 =	vsel vm0, $0x1, v1  }
0x42: {  	s23 =	scvt.f32.s32 s23;
	(xrf0) =	vadd.scan.msk.s32 $0xffff, v4;
	_ =	sdelay $0x1  }
0x43: {  	s22 =	sadd.s32 s23, s22  }
0x44: {  	v4 =	vmov s22  }
0x45: {  	v4 =	vadd.s32 $0xFFFFFFFF, v4  }
0x46: {  	v4 =	vbroadcast v4, $0x0  }
0x47: {  	v5, _, _ =	vpop (xrf0)  }
0x48: {  	v4 =	vadd.s32 v4, v5  }
0x49: {  	vm1 =	vlt.s32 v4, $0x3FF  }
0x4a: {  	v4 =	vnsel vm1, $0x3FF, v4;
	_ =	sdelay $0x1  }
0x4b: {  	s30 =	spop (v2sf)  }
0x4c: {  	s23 =	scvt.f32.s32 s30;
	_ =	sdelay $0x1  }
0x4d: {  	v5 =	vor.u32 s21, v0;
	[tilespmem:v4+s17+$0x0] =	vst.idx.msk vm0, v3;
	s31 =	sadd.s32 s23, s22  }
0x4e: {  	[tilespmem:v4+s18+$0x0] =	vst.idx.msk vm0, v5;
	v3 =	vmov s31  }
0x4f: {  	s21 =	simm.s32 $0x0;
	[tilespmem:$0x5620] =	vst v3  }
0x50: {  	[hbm4b:s4+s21] =	stream.linear.scatter [tilespmem:s17], [sflag:$0x1], $0x400, $0x38;
	[tilespmem:$0x5630] =	vst v63  }
0x51: {  	_ =	swait.ge [sflag:s16], $0x400  }
0x52: {  	[sflag:s16] =	ssyncset.done $0x0  }
0x53: {  	[sflag:s16] =	ssyncadd.s32 $0xFFFFFC00  }
0x54: {  	[hbm4b:s5+s21] =	stream.linear.scatter [tilespmem:s18], [sflag:$0x1], $0x400, $0x38;
	[tilespmem:$0x5630] =	vst v63  }
0x55: {  	_ =	swait.ge [sflag:s16], $0x400  }
0x56: {  	[sflag:s16] =	ssyncset.done $0x0  }
0x57: {  	[sflag:s16] =	ssyncadd.s32 $0xFFFFFC00  }
0x58: {  	[hbm4b:s6+s21] =	stream.linear.scatter [tilespmem:s19], [sflag:$0x1], $0x10, $0x38;
	[tilespmem:$0x5630] =	vst v63  }
0x59: {  	_ =	swait.ge [sflag:s16], $0x10  }
0x5a: {  	[sflag:s16] =	ssyncset.done $0x0  }
0x5b: {  	[sflag:s16] =	ssyncadd.s32 $0xFFFFFFF0  }
0x5c: {  	[tilespmem:s21], [sflag:$0x1] =	stream.linear.gather [hbm4b:s7+s21], $0x4E20, $0x38;
	[tilespmem:$0x5630] =	vst v63  }
0x5d: {  	_ =	swait.ge [sflag:s16], $0x4E20  }
0x5e: {  	[sflag:s16] =	ssyncset.done $0x0  }
0x5f: {  	[sflag:s16] =	ssyncadd.s32 $0xFFFFB1E0  }
0x60: {  	v3 =	vld [tilespmem:s21+$0x0];
	_ =	sdelay $0x4  }
0x61: {  	vm14 =	vgt.f32 v3, $5.000000070e-02  }
0x62: {  	v4 =	vsel vm14, $0x1, v1  }
0x63: {  	(xrf0) =	vadd.scan.msk.s32 $0xffff, v4;
	_ =	sdelay $0x2  }
0x64: {  	v5 =	vsel vm14, $0x3F800000, v2;
	v4 =	vmov s21  }
0x65: {  	(xrf2) =	vadd.scan.msk.f32 $0xffff, v5;
	v4 =	vadd.s32 $0xFFFFFFFF, v4  }
0x66: {  	v4 =	vbroadcast v4, $0x0  }
0x67: {  	v5, _, _ =	vpop (xrf0)  }
0x68: {  	v4 =	vadd.s32 v4, v5  }
0x69: {  	vm15 =	vlt.s32 v4, $0x3FF  }
0x6a: {  	v4 =	vnsel vm15, $0x3FF, v4;
	_ =	sdelay $0x4  }
0x6b: {  	[tilespmem:v4+s17+$0x0] =	vst.idx.msk vm14, v3;
	v3, _, _ =	vpop (xrf2)  }
0x6c: {  	(v2sf) =	vpush v3, $0xF;
	_ =	sdelay $0x4  }
0x6d: {  	v5 =	vor.u32 s21, v0  }
0x6e: {  	s22 =	simm.s32 $0x10;
	[tilespmem:v4+s18+$0x0] =	vst.idx.msk vm14, v5  }
0x6f: {  	s24 =	simm.s32 $0x10;
	s23 =	simm.s32 $0x20;
	v3 =	vld [tilespmem:s22+$0x0]  }
.LBB2_4:
0x70: {  	p0 =	sne.s32 s23, $0x4E10;
	_ =	sdelay $0x3  }
0x71: {  	vm0 =	vgt.f32 v3, $5.000000070e-02  }
0x72: {  	v4 =	vsel vm0, $0x1, v1;
	v5 =	vsel vm0, $0x3F800000, v2  }
0x73: {  	(xrf2) =	vadd.scan.msk.f32 $0xffff, v5  }
0x74: {  	s25 =	spop (v2sf)  }
0x75: {  	(xrf0) =	vadd.scan.msk.s32 $0xffff, v4;
	s25 =	scvt.f32.s32 s25;
	_ =	sdelay $0x1  }
0x76: {  	s21 =	sadd.s32 s25, s21  }
0x77: {  	v4 =	vmov s21  }
0x78: {  	v4 =	vadd.s32 $0xFFFFFFFF, v4  }
0x79: {  	v4 =	vbroadcast v4, $0x0  }
0x7a: {  	v5, _, _ =	vpop (xrf0)  }
0x7b: {  	v4 =	vadd.s32 v4, v5  }
0x7c: {  	vm1 =	vlt.s32 v4, $0x3FF;
	v5, _, _ =	vpop (xrf2)  }
0x7d: {  	v4 =	vnsel vm1, $0x3FF, v4;
	(v2sf) =	vpush v5, $0xF;
	_ =	sdelay $0x2  }
.Ltmp1:
0x7e: {  	(pc) =	sbr.rel @p0 .LBB2_4-.Ltmp1, $4  }
0x7f: {  	_ = 	snop  }
0x80: {  	v5 =	vor.u32 s22, v0;
	s22 =	smov.u32 s23;
	[tilespmem:v4+s17+$0x0] =	vst.idx.msk vm0, v3  }
0x81: {  	s24 =	sadd.s32 $0x10, s24;
	[tilespmem:v4+s18+$0x0] =	vst.idx.msk vm0, v5  }
0x82: {  	s23 =	sadd.s32 $0x10, s23;
	v3 =	vld [tilespmem:s24+$0x0]  }
0x83: {  	_ =	sdelay $0x3  }
0x84: {  	vm0 =	vgt.f32 v3, $5.000000070e-02  }
0x85: {  	v4 =	vsel vm0, $0x3F800000, v2  }
0x86: {  	(xrf2) =	vadd.scan.msk.f32 $0xffff, v4;
	_ =	sdelay $0x9  }
0x87: {  	v4, _, _ =	vpop (xrf2)  }
0x88: {  	(v2sf) =	vpush v4, $0xF;
	_ =	sdelay $0x2  }
0x89: {  	s23 =	spop (v2sf);
	v4 =	vsel vm0, $0x1, v1  }
0x8a: {  	s23 =	scvt.f32.s32 s23;
	(xrf0) =	vadd.scan.msk.s32 $0xffff, v4;
	_ =	sdelay $0x1  }
0x8b: {  	s21 =	sadd.s32 s23, s21  }
0x8c: {  	v4 =	vmov s21  }
0x8d: {  	v4 =	vadd.s32 $0xFFFFFFFF, v4  }
0x8e: {  	v4 =	vbroadcast v4, $0x0  }
0x8f: {  	v5, _, _ =	vpop (xrf0)  }
0x90: {  	v4 =	vadd.s32 v4, v5  }
0x91: {  	vm1 =	vlt.s32 v4, $0x3FF  }
0x92: {  	v4 =	vnsel vm1, $0x3FF, v4;
	_ =	sdelay $0x1  }
0x93: {  	s31 =	spop (v2sf)  }
0x94: {  	s23 =	scvt.f32.s32 s31;
	_ =	sdelay $0x1  }
0x95: {  	v5 =	vor.u32 s22, v0;
	[tilespmem:v4+s17+$0x0] =	vst.idx.msk vm0, v3;
	s21 =	sadd.s32 s23, s21  }
0x96: {  	[tilespmem:v4+s18+$0x0] =	vst.idx.msk vm0, v5;
	v3 =	vmov s21  }
0x97: {  	s21 =	simm.s32 $0x0;
	[tilespmem:$0x5620] =	vst v3  }
0x98: {  	[hbm4b:s8+s21] =	stream.linear.scatter [tilespmem:s17], [sflag:$0x1], $0x400, $0x38;
	[tilespmem:$0x5630] =	vst v63  }
0x99: {  	_ =	swait.ge [sflag:s16], $0x400  }
0x9a: {  	[sflag:s16] =	ssyncset.done $0x0  }
0x9b: {  	[sflag:s16] =	ssyncadd.s32 $0xFFFFFC00  }
0x9c: {  	[hbm4b:s9+s21] =	stream.linear.scatter [tilespmem:s18], [sflag:$0x1], $0x400, $0x38;
	[tilespmem:$0x5630] =	vst v63  }
0x9d: {  	_ =	swait.ge [sflag:s16], $0x400  }
0x9e: {  	[sflag:s16] =	ssyncset.done $0x0  }
0x9f: {  	[sflag:s16] =	ssyncadd.s32 $0xFFFFFC00  }
0xa0: {  	[hbm4b:s10+s21] =	stream.linear.scatter [tilespmem:s19], [sflag:$0x1], $0x10, $0x38;
	[tilespmem:$0x5630] =	vst v63  }
0xa1: {  	_ =	swait.ge [sflag:s16], $0x10  }
0xa2: {  	[sflag:s16] =	ssyncset.done $0x0  }
0xa3: {  	[sflag:s16] =	ssyncadd.s32 $0xFFFFFFF0  }
0xa4: {  	[tilespmem:s21], [sflag:$0x1] =	stream.linear.gather [hbm4b:s11+s21], $0x4E20, $0x38;
	[tilespmem:$0x5630] =	vst v63  }
0xa5: {  	_ =	swait.ge [sflag:s16], $0x4E20  }
0xa6: {  	[sflag:s16] =	ssyncset.done $0x0  }
0xa7: {  	[sflag:s16] =	ssyncadd.s32 $0xFFFFB1E0  }
0xa8: {  	v3 =	vld [tilespmem:s21+$0x0];
	_ =	sdelay $0x4  }
0xa9: {  	vm14 =	vgt.f32 v3, $5.000000070e-02  }
0xaa: {  	v4 =	vsel vm14, $0x1, v1  }
0xab: {  	(xrf0) =	vadd.scan.msk.s32 $0xffff, v4;
	_ =	sdelay $0x2  }
0xac: {  	v5 =	vsel vm14, $0x3F800000, v2;
	v4 =	vmov s21  }
0xad: {  	(xrf2) =	vadd.scan.msk.f32 $0xffff, v5;
	v4 =	vadd.s32 $0xFFFFFFFF, v4  }
0xae: {  	v4 =	vbroadcast v4, $0x0  }
0xaf: {  	v5, _, _ =	vpop (xrf0)  }
0xb0: {  	v4 =	vadd.s32 v4, v5  }
0xb1: {  	vm15 =	vlt.s32 v4, $0x3FF  }
0xb2: {  	v4 =	vnsel vm15, $0x3FF, v4;
	_ =	sdelay $0x4  }
0xb3: {  	[tilespmem:v4+s17+$0x0] =	vst.idx.msk vm14, v3;
	v3, _, _ =	vpop (xrf2)  }
0xb4: {  	(v2sf) =	vpush v3, $0xF;
	_ =	sdelay $0x4  }
0xb5: {  	v5 =	vor.u32 s21, v0  }
0xb6: {  	s22 =	simm.s32 $0x10;
	[tilespmem:v4+s18+$0x0] =	vst.idx.msk vm14, v5  }
0xb7: {  	s24 =	simm.s32 $0x10;
	s23 =	simm.s32 $0x20;
	v3 =	vld [tilespmem:s22+$0x0]  }
.LBB2_6:
0xb8: {  	p0 =	sne.s32 s23, $0x4E10;
	_ =	sdelay $0x3  }
0xb9: {  	vm0 =	vgt.f32 v3, $5.000000070e-02  }
0xba: {  	v4 =	vsel vm0, $0x1, v1;
	v5 =	vsel vm0, $0x3F800000, v2  }
0xbb: {  	(xrf2) =	vadd.scan.msk.f32 $0xffff, v5  }
0xbc: {  	s25 =	spop (v2sf)  }
0xbd: {  	(xrf0) =	vadd.scan.msk.s32 $0xffff, v4;
	s25 =	scvt.f32.s32 s25;
	_ =	sdelay $0x1  }
0xbe: {  	s21 =	sadd.s32 s25, s21  }
0xbf: {  	v4 =	vmov s21  }
0xc0: {  	v4 =	vadd.s32 $0xFFFFFFFF, v4  }
0xc1: {  	v4 =	vbroadcast v4, $0x0  }
0xc2: {  	v5, _, _ =	vpop (xrf0)  }
0xc3: {  	v4 =	vadd.s32 v4, v5  }
0xc4: {  	vm1 =	vlt.s32 v4, $0x3FF;
	v5, _, _ =	vpop (xrf2)  }
0xc5: {  	v4 =	vnsel vm1, $0x3FF, v4;
	(v2sf) =	vpush v5, $0xF;
	_ =	sdelay $0x2  }
.Ltmp2:
0xc6: {  	(pc) =	sbr.rel @p0 .LBB2_6-.Ltmp2, $4  }
0xc7: {  	_ = 	snop  }
0xc8: {  	v5 =	vor.u32 s22, v0;
	s22 =	smov.u32 s23;
	[tilespmem:v4+s17+$0x0] =	vst.idx.msk vm0, v3  }
0xc9: {  	s24 =	sadd.s32 $0x10, s24;
	[tilespmem:v4+s18+$0x0] =	vst.idx.msk vm0, v5  }
0xca: {  	s23 =	sadd.s32 $0x10, s23;
	v3 =	vld [tilespmem:s24+$0x0]  }
0xcb: {  	_ =	sdelay $0x3  }
0xcc: {  	vm0 =	vgt.f32 v3, $5.000000070e-02  }
0xcd: {  	v4 =	vsel vm0, $0x3F800000, v2  }
0xce: {  	(xrf2) =	vadd.scan.msk.f32 $0xffff, v4;
	_ =	sdelay $0x9  }
0xcf: {  	v4, _, _ =	vpop (xrf2)  }
0xd0: {  	(v2sf) =	vpush v4, $0xF;
	_ =	sdelay $0x2  }
0xd1: {  	v61 =	vsel vm0, $0x1, v1;
	s23 =	spop (v2sf)  }
0xd2: {  	(xrf0) =	vadd.scan.msk.s32 $0xffff, v61;
	s23 =	scvt.f32.s32 s23;
	_ =	sdelay $0x1  }
0xd3: {  	s21 =	sadd.s32 s23, s21  }
0xd4: {  	v62 =	vmov s21  }
0xd5: {  	v4 =	vadd.s32 $0xFFFFFFFF, v62  }
0xd6: {  	v4 =	vbroadcast v4, $0x0  }
0xd7: {  	v5, _, _ =	vpop (xrf0)  }
0xd8: {  	v4 =	vadd.s32 v4, v5  }
0xd9: {  	vm1 =	vlt.s32 v4, $0x3FF  }
0xda: {  	v4 =	vnsel vm1, $0x3FF, v4;
	_ =	sdelay $0x1  }
0xdb: {  	s31 =	spop (v2sf)  }
0xdc: {  	s23 =	scvt.f32.s32 s31;
	_ =	sdelay $0x1  }
0xdd: {  	v63 =	vor.u32 s22, v0;
	[tilespmem:v4+s17+$0x0] =	vst.idx.msk vm0, v3;
	s21 =	sadd.s32 s23, s21  }
0xde: {  	[tilespmem:v4+s18+$0x0] =	vst.idx.msk vm0, v63;
	v3 =	vmov s21  }
0xdf: {  	[tilespmem:$0x5620] =	vst v3  }
0xe0: {  	[hbm4b:s12+s2] =	stream.linear.scatter [tilespmem:s17], [sflag:$0x1], $0x400, $0x38;
	[tilespmem:$0x5630] =	vst v63  }
0xe1: {  	_ =	swait.ge [sflag:s16], $0x400  }
0xe2: {  	[sflag:s16] =	ssyncset.done $0x0  }
0xe3: {  	[sflag:s16] =	ssyncadd.s32 $0xFFFFFC00  }
0xe4: {  	[hbm4b:s13+s2] =	stream.linear.scatter [tilespmem:s18], [sflag:$0x1], $0x400, $0x38;
	[tilespmem:$0x5630] =	vst v63  }
0xe5: {  	s20 =	sadd.s32 $0x1, s20;
	_ =	swait.ge [sflag:s16], $0x400  }
0xe6: {  	p0 =	sne.s32 s20, s15;
	[sflag:s16] =	ssyncset.done $0x0  }
.Ltmp3:
0xe7: {  	[sflag:s16] =	ssyncadd.s32 $0xFFFFFC00;
	(pc) =	sbr.rel @p0 .LBB2_1-.Ltmp3, $4  }
0xe8: {  	[hbm4b:s14+s2] =	stream.linear.scatter [tilespmem:s19], [sflag:$0x1], $0x10, $0x38;
	[tilespmem:$0x5630] =	vst v63  }
0xe9: {  	_ =	swait.ge [sflag:s16], $0x10  }
0xea: {  	[sflag:s16] =	ssyncset.done $0x0  }
0xeb: {  	[sflag:s16] =	ssyncadd.s32 $0xFFFFFFF0  }
0xec: {  	_ =	sfence.sel $0x180000  }
0xed: {  	[bflag:$0x0] =	sbarrier.arrive $0xFFFF  }
0xee: {  	p0 =	sne.s32 s1, $0x0;
	_ =	strace $0x90000047  }
0xef: {  	s0 =	sadd.s32 @!p0 $0x100000, s0;
	[bflag:$0x2] =	sbarrier.arrive $0xFFFF  }
0xf0: {  	[sflag:s0] =	ssyncadd.tile.s32 @!p0 $0x1;
	_ =	shalt  }
.Lfunc_end2:
_tile_overlayer_lowered:
.L_overlay_start_2:
0xf1: {  	(tag) =	ssettag $0x2  }
0xf2: {  	s0 =	rddreg [dreg:$0x0];
	s2 =	stileid.u32  }
0xf3: {  	s1 =	rddreg [dreg:$0x1];
	p0 =	sne.s32 s2, $0x0  }
0xf4: {  	s3 =	rddreg [dreg:$0x2];
	[bflag:$0x3] =	sbarrier.arrive $0xFFFF;
	s2 =	simm.s32 @!p0 $0x1C01  }
0xf5: {  	[timem:s3], [sflag:s2] =	dma.local @!p0 [hbm:s0], s1  }
0xf6: {  	s0 =	simm.s32 @!p0 $0x1  }
0xf7: {  	_ =	swait.ge @!p0 [sflag:s0], s1  }
0xf8: {  	s1 =	ssub.s32 @!p0 $0x0, s1;
	[sflag:s0] =	ssyncset.done @!p0 $0x0  }
0xf9: {  	[sflag:s0] =	ssyncadd.s32 @!p0 s1  }
0xfa: {  	[bflag:$0x3] =	sbarrier.arrive $0xFFFF  }
0xfb: {  	_ =	shalt  }

// kernel: kernel.9.cloned.1.call-start
scs
__scs_entry_jumppad:
0x0: {  	(pc) =	sbr.rel $0x88, $3  }
0x1: {  	(tag) =	ssettag $0x0;
	lr =	simm.s32 $0x1  }
0x2: {  	[smem:$0x3F9E] =	sst lr;
	_ =	strace $0xD0000000  }
0x3: {  	_ = 	snop  }
0x4: {  	_ = 	snop  }
0x5: {  	_ = 	snop  }
0x6: {  	_ = 	snop  }
0x7: {  	_ = 	snop  }
__scs_overlays_trampoline_lowered:
0x8: {  	[smem:$0x3FAD] =	sst s0  }
0x9: {  	[smem:$0x3FAE] =	sst s1  }
0xa: {  	[smem:$0x3FAF] =	sst s2  }
0xb: {  	[smem:$0x3FB0] =	sst s3  }
0xc: {  	[smem:$0x3FB1] =	sst s4  }
0xd: {  	[smem:$0x3FB2] =	sst s5  }
0xe: {  	[smem:$0x3FB3] =	sst s6  }
0xf: {  	[smem:$0x3FB4] =	sst s7  }
0x10: {  	[smem:$0x3FB5] =	sst s8  }
0x11: {  	[smem:$0x3FB6] =	sst s9;
	s0 =	simm.s32 @!p0 $0x0  }
0x12: {  	s1 =	sld [smem:$0x3F9C];
	s0 =	simm.s32 @p0 $0x1  }
0x13: {  	[smem:$0x3FB7] =	sst s0;
	s0 =	simm.s32 @!p1 $0x0  }
0x14: {  	s2 =	sld [smem:$0x3F9B];
	s0 =	simm.s32 @p1 $0x1  }
0x15: {  	[smem:$0x3FB8] =	sst s0;
	s0 =	simm.s32 @!p2 $0x0  }
0x16: {  	s3 =	sld [smem:$0x3FDB];
	s0 =	simm.s32 @p2 $0x1  }
0x17: {  	s4 =	simm.s32 $0x1BF5;
	[smem:$0x3FBA] =	sst s0  }
0x18: {  	s0 =	sld [smem:$0x3F9D];
	_ =	swait.ge [sflag:s4], $0x0  }
0x19: {  	s7 =	sld [smem:$0x3F9E]  }
0x1a: {  	s8 =	sadd.s32 $0xFFFFE003, lr  }
0x1b: {  	s9 =	sadd.s32 $0xFFFFFEF7, lr;
	s5 =	simm.s32 $0xFFFFFFFF;
	p2 =	slt.u32 s8, $0xFFFFF086  }
0x1c: {  	p1 =	slt.u32 s9, $0xF7A;
	s5 =	simm.s32 @!p2 $0x0  }
0x1d: {  	s5 =	simm.s32 @p1 $0x1;
	p0 =	seq.s32 s7, s2  }
0x1e: {  	s7 =	smul.u32 @!p0 $0xF7A, s2;
	p2 =	seq.s32 @!p0 s5, $0x0  }
0x1f: {  	s9 =	smul.u32 $0xF7A, s1;
	s8 =	simm.s32 @!p0 $0x1BF5;
	p2 =	por !p2, p0  }
0x20: {  	[sflag:s8] =	ssyncset.s32 @!p0 $0xFFFFF086;
	s6 =	sadd.s32 @!p0 s3, s7;
	s7 =	simm.s32 @!p0 $0x108  }
0x21: {  	s3 =	sadd.s32 s3, s9;
	s6 =	sadd.s32 @!p0 $0x88, s6;
	s7 =	simm.s32 @p2 $0x1082  }
0x22: {  	[simem:s7], [sflag:s8] =	dma.local @!p0 [hbm:s6], $0xF7A  }
0x23: {  	s9 =	sor.u32 $0xD0000000, s2;
	s6 =	simm.s32 $0x108;
	_ =	swait.ge @!p0 [sflag:s8], $0x0  }
0x24: {  	s3 =	sadd.s32 $0x88, s3;
	s6 =	simm.s32 @!p1 $0x1082;
	[sflag:s4] =	ssyncset.s32 $0xFFFFF086  }
0x25: {  	[simem:s6], [sflag:s4] =	dma.local [hbm:s3], $0xF7A  }
0x26: {  	[smem:$0x3F9E] =	sst s1;
	(tag) =	ssettag s2;
	_ =	strace s9  }
0x27: {  	s1 =	sld [smem:$0x3FAE]  }
0x28: {  	s2 =	sld [smem:$0x3FAF]  }
0x29: {  	s4 =	sld [smem:$0x3FB1]  }
0x2a: {  	p0 =	seq.s32 s5, $0x0;
	s5 =	sld [smem:$0x3FB2]  }
0x2b: {  	s6 =	sld [smem:$0x3FB3]  }
0x2c: {  	s7 =	sld [smem:$0x3FB4]  }
0x2d: {  	s3 =	simm.s32 $0x108;
	s8 =	sld [smem:$0x3FB5]  }
0x2e: {  	s3 =	simm.s32 @!p0 $0x1082;
	s9 =	sld [smem:$0x3FB6]  }
0x2f: {  	lr =	sadd.s32 s0, s3;
	s0 =	sld [smem:$0x3FAD]  }
0x30: {  	s3 =	sld [smem:$0x3FB0]  }
0x31: {  	[smem:$0x3FB9] =	sst s10  }
0x32: {  	s10 =	sld [smem:$0x3FB7];
	_ =	sdelay $0x3  }
0x33: {  	p0 =	seq.s32 s10, $0x1;
	s10 =	sld [smem:$0x3FB9];
	_ =	sdelay $0x3  }
0x34: {  	[smem:$0x3FB9] =	sst s10  }
0x35: {  	s10 =	sld [smem:$0x3FB8];
	_ =	sdelay $0x3  }
0x36: {  	p1 =	seq.s32 s10, $0x1;
	s10 =	sld [smem:$0x3FB9];
	_ =	sdelay $0x3  }
0x37: {  	[smem:$0x3FB9] =	sst s10  }
0x38: {  	s10 =	sld [smem:$0x3FBA]  }
0x39: {  	_ = 	snop;
	(pc) =	sbr.ind lr, $3  }
0x3a: {  	_ = 	snop  }
0x3b: {  	_ = 	snop  }
0x3c: {  	p2 =	seq.s32 s10, $0x1;
	s10 =	sld [smem:$0x3FB9]  }
0x3d: {  	_ =	shalt  }
0x3e: {  	_ =	shalt  }
0x3f: {  	_ =	shalt  }
0x40: {  	_ =	shalt  }
0x41: {  	_ =	shalt  }
0x42: {  	_ =	shalt  }
0x43: {  	_ =	shalt  }
0x44: {  	_ =	shalt  }
0x45: {  	_ =	shalt  }
0x46: {  	_ =	shalt  }
0x47: {  	_ =	shalt  }
0x48: {  	_ =	shalt  }
0x49: {  	_ =	shalt  }
0x4a: {  	_ =	shalt  }
0x4b: {  	_ =	shalt  }
0x4c: {  	_ =	shalt  }
0x4d: {  	_ =	shalt  }
0x4e: {  	_ =	shalt  }
0x4f: {  	_ =	shalt  }
0x50: {  	_ =	shalt  }
0x51: {  	_ =	shalt  }
0x52: {  	_ =	shalt  }
0x53: {  	_ =	shalt  }
0x54: {  	_ =	shalt  }
0x55: {  	_ =	shalt  }
0x56: {  	_ =	shalt  }
0x57: {  	_ =	shalt  }
0x58: {  	_ =	shalt  }
0x59: {  	_ =	shalt  }
0x5a: {  	_ =	shalt  }
0x5b: {  	_ =	shalt  }
0x5c: {  	_ =	shalt  }
0x5d: {  	_ =	shalt  }
0x5e: {  	_ =	shalt  }
0x5f: {  	_ =	shalt  }
0x60: {  	_ =	shalt  }
0x61: {  	_ =	shalt  }
0x62: {  	_ =	shalt  }
0x63: {  	_ =	shalt  }
0x64: {  	_ =	shalt  }
0x65: {  	_ =	shalt  }
0x66: {  	_ =	shalt  }
0x67: {  	_ =	shalt  }
0x68: {  	_ =	shalt  }
0x69: {  	_ =	shalt  }
0x6a: {  	_ =	shalt  }
0x6b: {  	_ =	shalt  }
0x6c: {  	_ =	shalt  }
0x6d: {  	_ =	shalt  }
0x6e: {  	_ =	shalt  }
0x6f: {  	_ =	shalt  }
0x70: {  	_ =	shalt  }
0x71: {  	_ =	shalt  }
0x72: {  	_ =	shalt  }
0x73: {  	_ =	shalt  }
0x74: {  	_ =	shalt  }
0x75: {  	_ =	shalt  }
0x76: {  	_ =	shalt  }
0x77: {  	_ =	shalt  }
0x78: {  	_ =	shalt  }
0x79: {  	_ =	shalt  }
0x7a: {  	_ =	shalt  }
0x7b: {  	_ =	shalt  }
0x7c: {  	_ =	shalt  }
0x7d: {  	_ =	shalt  }
0x7e: {  	_ =	shalt  }
0x7f: {  	_ =	shalt  }
0x80: {  	_ =	shalt  }
0x81: {  	_ =	shalt  }
0x82: {  	_ =	shalt  }
0x83: {  	_ =	shalt  }
0x84: {  	_ =	shalt  }
0x85: {  	_ =	shalt  }
0x86: {  	_ =	shalt  }
0x87: {  	_ =	shalt  }
.Lfunc_end0:
.L_simem_size_0:
called_computation.2_lowered:
.L_overlay_start_0:
0x88: {  	s2 =	sld [smem:$0x3FD9]  }
0x89: {  	s3 =	sld [smem:$0x3FFE];
	_ =	sdelay $0x1  }
0x8a: {  	s1 =	srdreg.scid  }
0x8b: {  	s0 =	sand.u32 $0x1, s1  }
0x8c: {  	s16 =	sshll.u32 s0, $0xA;
	s2 =	sadd.s32 s3, s2  }
0x8d: {  	s2 =	sadd.s32 s2, s16  }
0x8e: {  	[smem:$0x3FC5] =	sst s2  }
0x8f: {  	_ = 	snop  }
0x90: {  	(tm) =	ssettm $0x1  }
0x91: {  	s17 =	sld [smem:$0x3FFB];
	_ =	sdelay $0x3  }
0x92: {  	_ =	strace s17  }
0x93: {  	s2 =	sld [smem:$0x3FFC];
	_ =	sdelay $0x3  }
0x94: {  	_ =	strace s2  }
0x95: {  	s2 =	sld [smem:$0x3FFD];
	_ =	sdelay $0x3  }
0x96: {  	_ =	strace s2  }
0x97: {  	_ =	strace $0x8FFFFFFF  }
0x98: {  	s18 =	sld [smem:$0x3FDB];
	_ =	sdelay $0x1  }
0x99: {  	s19 =	simm.s32 $_scs_section_size  }
0x9a: {  	s4 =	simm.s32 $_size__tile_overlayer_lowered;
	s5 =	simm.s32 $_tile_overlayer_lowered  }
0x9b: {  	s22 =	simm.s32 $0x1BFF;
	s21 =	sshll.u32 s5, $0x1;
	s2 =	sadd.s32 s19, s18  }
0x9c: {  	s6 =	simm.s32 $0x0;
	s20 =	sshll.u32 s4, $0x1;
	s4 =	sadd.s32 s21, s2  }
0x9d: {  	[timem:s6], [sflag:s22] =	dma.local [hbm:s4], s20  }
0x9e: {  	_ =	swait.ge [sflag:s22], s20  }
0x9f: {  	s3 =	ssub.s32 $0x0, s20;
	[sflag:s22] =	ssyncset.done $0x0  }
0xa0: {  	[sflag:s22] =	ssyncadd.s32 s3;
	_ =	sdelay $0x1  }
0xa1: {  	s23 =	simm.s32 $0x1B8B  }
0xa2: {  	_ =	swait.ge [sflag:s23], $0x1  }
0xa3: {  	[sflag:s23] =	ssyncset.done $0x0  }
0xa4: {  	s25 =	simm.s32 $0x1B8E;
	s24 =	sld [smem:$0x3FFE];
	[sflag:s23] =	ssyncadd.s32 $0xFFFFFFFF  }
0xa5: {  	s26 =	simm.s32 $execute0_lowered;
	[smem:$0x3FD2] =	sst s25  }
0xa6: {  	s4 =	sshll.u32 s26, $0x1;
	_ =	strace $0x80000049;
	[dreg:$0x1] =	wrdreg $0xFFFFFFFF  }
0xa7: {  	s28 =	simm.s32 $_size_execute0_lowered;
	s2 =	sadd.s32 s2, s4;
	[dreg:$0x0] =	wrdreg $0x0  }
0xa8: {  	s4 =	sshll.u32 s28, $0x1;
	[dreg:$0x2] =	wrdreg s2  }
0xa9: {  	[dreg:$0x3] =	wrdreg s4  }
0xaa: {  	[dreg:$0x4] =	wrdreg $0xC0  }
0xab: {  	_ =	task [dreg:s6], $0x5FFFF  }
0xac: {  	[dreg:$0x1] =	wrdreg $0xFFFFFFFF  }
0xad: {  	[dreg:$0x0] =	wrdreg $0x60  }
0xae: {  	[dreg:$0x2] =	wrdreg s24  }
0xaf: {  	[dreg:$0x3] =	wrdreg $0x9  }
0xb0: {  	_ =	task.clear_ibuf [dreg:s6], $0x4FFFF;
	_ =	strace $0x90000049  }
0xb1: {  	s29 =	simm.s32 $0x9;
	_ =	strace $0x8000004B  }
0xb2: {  	_ =	swait.ge [sflag:s29], $0x1  }
0xb3: {  	[sflag:s29] =	ssyncadd.s32 $0xFFFFFFFF  }
0xb4: {  	_ =	strace $0x9000004B  }
0xb5: {  	_ =	sfence  }
0xb6: {  	s30 =	sld [smem:$0x0];
	_ =	sdelay $0x2  }
0xb7: {  	s31 =	sshll.u32 s1, $0xD;
	s1 =	sshrl.u32 s1, $0x2  }
0xb8: {  	s3 =	sand.u32 $0x4000, s31;
	s1 =	sadd.s32 s1, s30  }
0xb9: {  	s0 =	sor.u32 s3, s0;
	s1 =	sshll.u32 s1, $0x11  }
0xba: {  	s0 =	sor.u32 s1, s0  }
0xbb: {  	s0 =	sadd.s32 $0x8F2B, s0  }
0xbc: {  	[sflag:s0] =	ssyncadd.remote.s32 $0x1  }
0xbd: {  	_ =	sfence.sel $0xFFFF  }
0xbe: {  	[dreg:$0x0] =	wrdreg $0xFFFFFFFF;
	(pc) =	sbr.abs _section_cstart, $3  }
0xbf: {  	[dreg:$0x1] =	wrdreg $0xFFFFFFFF  }
0xc0: {  	_ =	task.clear_ibuf [dreg:s6], $0x2FFFF;
	_ =	strace $0x9FFFFFFF  }
0xc1: {  	(tm) =	ssettm $0x7FFFFFFF  }
tec
execute0_lowered:
.L_overlay_start_1:
0x0: {  	(tag) =	ssettag $0x1  }
0x1: {  	s0 =	rddreg [dreg:$0x0];
	s1 =	srdreg.scid;
	s2 =	simm.s32 $0x0  }
0x2: {  	s3 =	stileid.u32;
	s18 =	simm.s32 $0x2;
	s19 =	simm.s32 $0x200  }
0x3: {  	s22 =	simm.s32 $0x80;
	s23 =	simm.s32 $0x800;
	s24 =	simm.s32 $0x1  }
0x4: {  	s25 =	simm.s32 $0x2800;
	s20 =	simm.s32 $0x5200;
	s21 =	simm.s32 $0x5400  }
0x5: {  	s26 =	simm.s32 $0x5600;
	s28 =	simm.s32 $0x0;
	s1 =	sand.u32 $0x1, s1  }
0x6: {  	[smem:$0x7FF] =	sst s2;
	s3 =	sshll.u32 s3, $0x7;
	s5 =	sadd.s32 $0x132800, s0  }
0x7: {  	s4 =	sshll.u32 s1, $0x6;
	_ =	strace $0x8000004A;
	s1 =	ssub.s32 $0x2, s1  }
0x8: {  	s4 =	sor.u32 s4, s3;
	s3 =	sadd.s32 $0x6CA00, s0;
	s6 =	sshrl.u32 s1, $0x1  }
0x9: {  	s4 =	sadd.s32 s0, s4;
	s31 =	ssub.s32 s1, s6;
	s1 =	simm.s32 $0x5000  }
0xa: {  	s6 =	sadd.s32 $0x800, s4;
	s7 =	sadd.s32 $0x1000, s4;
	s8 =	sadd.s32 $0x1800, s4  }
0xb: {  	s9 =	sadd.s32 $0x2000, s4;
	s10 =	sadd.s32 $0x2800, s4;
	s11 =	sadd.s32 $0x3000, s4  }
0xc: {  	v0 =	vlaneseq.u32;
	s12 =	sadd.s32 $0x4200, s4;
	s13 =	sadd.s32 $0x4A00, s4;
	s14 =	sadd.s32 $0x5200, s4  }
0xd: {  	v0 =	vmul.u32 $0x10, v0;
	s15 =	sadd.s32 $0x5A00, s4;
	s16 =	sadd.s32 $0x6200, s4;
	s17 =	smax.u32 s31, $0x1  }
.LBB2_1:
0xe: {  	[tilespmem:s2], [sflag:$0x2] =	stream.linear.gather [hbm4b:s4+s2], $0x200, $0x38;
	[tilespmem:$0x5800] =	vst v63  }
0xf: {  	_ =	swait.ge [sflag:s18], $0x200  }
0x10: {  	[sflag:s18] =	ssyncset.done $0x0  }
0x11: {  	[sflag:s18] =	ssyncadd.s32 $0xFFFFFE00  }
0x12: {  	[tilespmem:s19], [sflag:$0x2] =	stream.linear.gather [hbm4b:s6+s2], $0x200, $0x38;
	[tilespmem:$0x5800] =	vst v63  }
0x13: {  	_ =	swait.ge [sflag:s18], $0x200  }
0x14: {  	[sflag:s18] =	ssyncset.done $0x0  }
0x15: {  	s0 =	simm.s32 $0x400;
	[sflag:s18] =	ssyncadd.s32 $0xFFFFFE00  }
0x16: {  	[tilespmem:s0], [sflag:$0x2] =	stream.linear.gather [hbm4b:s7+s2], $0x200, $0x38;
	[tilespmem:$0x5800] =	vst v63  }
0x17: {  	_ =	swait.ge [sflag:s18], $0x200  }
0x18: {  	[sflag:s18] =	ssyncset.done $0x0  }
0x19: {  	s0 =	simm.s32 $0x600;
	[sflag:s18] =	ssyncadd.s32 $0xFFFFFE00  }
0x1a: {  	[tilespmem:s0], [sflag:$0x2] =	stream.linear.gather [hbm4b:s8+s2], $0x200, $0x38;
	[tilespmem:$0x5800] =	vst v63  }
0x1b: {  	_ =	swait.ge [sflag:s18], $0x200  }
0x1c: {  	[sflag:s18] =	ssyncset.done $0x0  }
0x1d: {  	[sflag:s18] =	ssyncadd.s32 $0xFFFFFE00  }
0x1e: {  	[tilespmem:s23], [sflag:$0x1] =	stream.indirect.gather [hbm4b:s3+s22], $0x10, s2, s22, $0xb8;
	[tilespmem:$0x5800] =	vst v63  }
0x1f: {  	_ =	swait.ge [sflag:s24], $0x800  }
0x20: {  	[sflag:s24] =	ssyncset.done $0x0  }
0x21: {  	[sflag:s24] =	ssyncadd.s32 $0xFFFFF800  }
0x22: {  	[tilespmem:s25], [sflag:$0x1] =	stream.indirect.gather [hbm4b:s5+s22], $0x10, s19, s22, $0xb8;
	[tilespmem:$0x5800] =	vst v63  }
0x23: {  	_ =	swait.ge [sflag:s24], $0x800  }
0x24: {  	[sflag:s24] =	ssyncset.done $0x0  }
0x25: {  	s0 =	simm.s32 $0x1000;
	[sflag:s24] =	ssyncadd.s32 $0xFFFFF800  }
0x26: {  	[tilespmem:s0], [sflag:$0x1] =	stream.indirect.gather [hbm4b:s3+s22], $0x10, s22, s22, $0xb8;
	[tilespmem:$0x5800] =	vst v63  }
0x27: {  	_ =	swait.ge [sflag:s24], $0x800  }
0x28: {  	[sflag:s24] =	ssyncset.done $0x0  }
0x29: {  	s29 =	simm.s32 $0x3000;
	s0 =	simm.s32 $0x280;
	[sflag:s24] =	ssyncadd.s32 $0xFFFFF800  }
0x2a: {  	[tilespmem:s29], [sflag:$0x1] =	stream.indirect.gather [hbm4b:s5+s22], $0x10, s0, s22, $0xb8;
	[tilespmem:$0x5800] =	vst v63  }
0x2b: {  	_ =	swait.ge [sflag:s24], $0x800  }
0x2c: {  	[sflag:s24] =	ssyncset.done $0x0  }
0x2d: {  	s0 =	simm.s32 $0x100;
	s29 =	simm.s32 $0x1800;
	[sflag:s24] =	ssyncadd.s32 $0xFFFFF800  }
0x2e: {  	[tilespmem:s29], [sflag:$0x1] =	stream.indirect.gather [hbm4b:s3+s22], $0x10, s0, s22, $0xb8;
	[tilespmem:$0x5800] =	vst v63  }
0x2f: {  	_ =	swait.ge [sflag:s24], $0x800  }
0x30: {  	[sflag:s24] =	ssyncset.done $0x0  }
0x31: {  	s0 =	simm.s32 $0x300;
	s29 =	simm.s32 $0x3800;
	[sflag:s24] =	ssyncadd.s32 $0xFFFFF800  }
0x32: {  	[tilespmem:s29], [sflag:$0x1] =	stream.indirect.gather [hbm4b:s5+s22], $0x10, s0, s22, $0xb8;
	[tilespmem:$0x5800] =	vst v63  }
0x33: {  	_ =	swait.ge [sflag:s24], $0x800  }
0x34: {  	[sflag:s24] =	ssyncset.done $0x0  }
0x35: {  	s0 =	simm.s32 $0x180;
	s29 =	simm.s32 $0x2000;
	[sflag:s24] =	ssyncadd.s32 $0xFFFFF800  }
0x36: {  	[tilespmem:s29], [sflag:$0x1] =	stream.indirect.gather [hbm4b:s3+s22], $0x10, s0, s22, $0xb8;
	[tilespmem:$0x5800] =	vst v63  }
0x37: {  	_ =	swait.ge [sflag:s24], $0x800  }
0x38: {  	[sflag:s24] =	ssyncset.done $0x0  }
0x39: {  	s0 =	simm.s32 $0x380;
	s29 =	simm.s32 $0x4000;
	[sflag:s24] =	ssyncadd.s32 $0xFFFFF800  }
0x3a: {  	[tilespmem:s29], [sflag:$0x1] =	stream.indirect.gather [hbm4b:s5+s22], $0x10, s0, s22, $0xb8;
	[tilespmem:$0x5800] =	vst v63  }
0x3b: {  	_ =	swait.ge [sflag:s24], $0x800  }
0x3c: {  	[sflag:s24] =	ssyncset.done $0x0  }
0x3d: {  	s29 =	simm.s32 $0x0;
	[sflag:s24] =	ssyncadd.s32 $0xFFFFF800  }
0x3e: {  	v1 =	vld [tilespmem:s29+$0x400];
	_ =	sdelay $0x2  }
0x3f: {  	v2 =	vmov s2  }
0x40: {  	v2 =	vshll.u32 v2, $0x4  }
0x41: {  	v4 =	vor.u32 v0, v2;
	v3 =	vand.u32 $0xFFFFFFF8, v1  }
0x42: {  	v2 =	vand.u32 $0x7, v1;
	v3 =	vadd.s32 v4, v3  }
0x43: {  	v2 =	vor.u32 v2, v3;
	_ =	sdelay $0x2  }
0x44: {  	v3 =	vadd.s32 $0x1, v1  }
0x45: {  	v5 =	vand.u32 $0xFFFFFFF8, v3  }
0x46: {  	v3 =	vand.u32 $0x7, v3;
	v5 =	vadd.s32 v4, v5;
	v2 =	vld.idx.msk [tilespmem:v2+s23+$0x0], $0xffff  }
0x47: {  	v3 =	vor.u32 v3, v5;
	_ =	sdelay $0x2  }
0x48: {  	v5 =	vadd.s32 $0x2, v1  }
0x49: {  	[tilespmem:s29+$0x4800] =	vst v2;
	v2 =	vand.u32 $0xFFFFFFF8, v5  }
0x4a: {  	v5 =	vand.u32 $0x7, v5;
	v3 =	vld.idx.msk [tilespmem:v3+s23+$0x0], $0xffff;
	v2 =	vadd.s32 v4, v2  }
0x4b: {  	v2 =	vor.u32 v5, v2;
	_ =	sdelay $0x2  }
0x4c: {  	v1 =	vadd.s32 $0x3, v1  }
0x4d: {  	v5 =	vld [tilespmem:s29+$0x600];
	[tilespmem:s29+$0x4A00] =	vst v3;
	v3 =	vand.u32 $0xFFFFFFF8, v1  }
0x4e: {  	v1 =	vand.u32 $0x7, v1;
	v2 =	vld.idx.msk [tilespmem:v2+s23+$0x0], $0xffff;
	v3 =	vadd.s32 v4, v3  }
0x4f: {  	v1 =	vor.u32 v1, v3;
	_ =	sdelay $0x3  }
0x50: {  	[tilespmem:s29+$0x4C00] =	vst v2;
	v2 =	vand.u32 $0xFFFFFFF8, v5  }
0x51: {  	v3 =	vand.u32 $0x7, v5;
	v1 =	vld.idx.msk [tilespmem:v1+s23+$0x0], $0xffff;
	v2 =	vadd.s32 v4, v2  }
0x52: {  	v2 =	vor.u32 v3, v2;
	_ =	sdelay $0x2  }
0x53: {  	v3 =	vadd.s32 $0x1, v5  }
0x54: {  	[tilespmem:s29+$0x4E00] =	vst v1;
	v1 =	vand.u32 $0xFFFFFFF8, v3  }
0x55: {  	v3 =	vand.u32 $0x7, v3;
	v2 =	vld.idx.msk [tilespmem:v2+s25+$0x0], $0xffff;
	v1 =	vadd.s32 v4, v1  }
0x56: {  	v1 =	vor.u32 v3, v1;
	_ =	sdelay $0x2  }
0x57: {  	v3 =	vadd.s32 $0x2, v5  }
0x58: {  	[tilespmem:s29+$0x5000] =	vst v2;
	v2 =	vand.u32 $0xFFFFFFF8, v3  }
0x59: {  	v3 =	vand.u32 $0x7, v3;
	v1 =	vld.idx.msk [tilespmem:v1+s25+$0x0], $0xffff;
	v2 =	vadd.s32 v4, v2  }
0x5a: {  	v2 =	vor.u32 v3, v2;
	_ =	sdelay $0x2  }
0x5b: {  	v3 =	vadd.s32 $0x3, v5  }
0x5c: {  	v5 =	vand.u32 $0xFFFFFFF8, v3;
	[tilespmem:s29+$0x5200] =	vst v1  }
0x5d: {  	s31 =	simm.s32 $0x80;
	s30 =	simm.s32 $0x0;
	s0 =	simm.s32 $0x10;
	v1 =	vld.idx.msk [tilespmem:v2+s25+$0x0], $0xffff;
	v2 =	vand.u32 $0x7, v3;
	v3 =	vadd.s32 v4, v5  }
.LBB2_2:
0x5e: {  	p0 =	sne.s32 s31, $0x7C0;
	v4 =	vld [tilespmem:s0+$0x400];
	v2 =	vor.u32 v2, v3;
	_ =	sdelay $0x1  }
0x5f: {  	s30 =	sadd.s32 $0x10, s30  }
0x60: {  	v3 =	vmov s30  }
0x61: {  	v3 =	vshll.u32 v3, $0x4;
	[tilespmem:s29+$0x5400] =	vst v1  }
0x62: {  	v3 =	vor.u32 v0, v3;
	v1 =	vand.u32 $0xFFFFFFF8, v4;
	v2 =	vld.idx.msk [tilespmem:v2+s25+$0x0], $0xffff  }
0x63: {  	v5 =	vand.u32 $0x7, v4;
	v1 =	vadd.s32 v3, v1  }
0x64: {  	v1 =	vor.u32 v5, v1;
	_ =	sdelay $0x3  }
0x65: {  	v5 =	vadd.s32 $0x1, v4;
	[tilespmem:s29+$0x5600] =	vst v2;
	s29 =	smov.u32 s0  }
0x66: {  	v2 =	vand.u32 $0xFFFFFFF8, v5;
	v1 =	vld.idx.msk [tilespmem:v1+s23+$0x0], $0xffff  }
0x67: {  	v5 =	vand.u32 $0x7, v5;
	v2 =	vadd.s32 v3, v2  }
0x68: {  	v2 =	vor.u32 v5, v2;
	_ =	sdelay $0x3  }
0x69: {  	[tilespmem:s29+$0x4800] =	vst v1;
	v1 =	vadd.s32 $0x2, v4  }
0x6a: {  	v2 =	vld.idx.msk [tilespmem:v2+s23+$0x0], $0xffff;
	v5 =	vand.u32 $0xFFFFFFF8, v1  }
0x6b: {  	v1 =	vand.u32 $0x7, v1;
	v5 =	vadd.s32 v3, v5  }
0x6c: {  	v1 =	vor.u32 v1, v5;
	_ =	sdelay $0x3  }
0x6d: {  	[tilespmem:s29+$0x4A00] =	vst v2;
	v2 =	vadd.s32 $0x3, v4  }
0x6e: {  	v1 =	vld.idx.msk [tilespmem:v1+s23+$0x0], $0xffff;
	v4 =	vand.u32 $0xFFFFFFF8, v2  }
0x6f: {  	v2 =	vand.u32 $0x7, v2;
	v4 =	vadd.s32 v3, v4  }
0x70: {  	v5 =	vld [tilespmem:s29+$0x600];
	v2 =	vor.u32 v2, v4;
	_ =	sdelay $0x3  }
0x71: {  	[tilespmem:s29+$0x4C00] =	vst v1  }
0x72: {  	v1 =	vld.idx.msk [tilespmem:v2+s23+$0x0], $0xffff;
	v2 =	vand.u32 $0xFFFFFFF8, v5  }
0x73: {  	v4 =	vand.u32 $0x7, v5;
	v2 =	vadd.s32 v3, v2  }
0x74: {  	v2 =	vor.u32 v4, v2;
	_ =	sdelay $0x3  }
0x75: {  	[tilespmem:s29+$0x4E00] =	vst v1;
	v1 =	vadd.s32 $0x1, v5  }
0x76: {  	v2 =	vld.idx.msk [tilespmem:v2+s25+$0x0], $0xffff;
	v4 =	vand.u32 $0xFFFFFFF8, v1  }
0x77: {  	v1 =	vand.u32 $0x7, v1;
	v4 =	vadd.s32 v3, v4  }
0x78: {  	v1 =	vor.u32 v1, v4;
	_ =	sdelay $0x3  }
0x79: {  	[tilespmem:s29+$0x5000] =	vst v2;
	v2 =	vadd.s32 $0x2, v5  }
0x7a: {  	v1 =	vld.idx.msk [tilespmem:v1+s25+$0x0], $0xffff;
	v4 =	vand.u32 $0xFFFFFFF8, v2  }
0x7b: {  	v2 =	vand.u32 $0x7, v2;
	v4 =	vadd.s32 v3, v4  }
0x7c: {  	v2 =	vor.u32 v2, v4;
	_ =	sdelay $0x1  }
.Ltmp0:
0x7d: {  	(pc) =	sbr.rel @p0 .LBB2_2-.Ltmp0, $4  }
0x7e: {  	_ = 	snop  }
0x7f: {  	v4 =	vadd.s32 $0x3, v5;
	[tilespmem:s29+$0x5200] =	vst v1  }
0x80: {  	v5 =	vand.u32 $0xFFFFFFF8, v4;
	v1 =	vld.idx.msk [tilespmem:v2+s25+$0x0], $0xffff  }
0x81: {  	s0 =	sshra.s32 s31, $0x2;
	s31 =	sadd.s32 $0x40, s31;
	v3 =	vadd.s32 v3, v5;
	v2 =	vand.u32 $0x7, v4  }
0x82: {  	v4 =	vld [tilespmem:s0+$0x400]  }
0x83: {  	v2 =	vor.u32 v2, v3  }
0x84: {  	s30 =	sadd.s32 $0x10, s30  }
0x85: {  	v3 =	vmov s30  }
0x86: {  	v3 =	vshll.u32 v3, $0x4  }
0x87: {  	[tilespmem:s29+$0x5400] =	vst v1;
	v3 =	vor.u32 v0, v3;
	v1 =	vand.u32 $0xFFFFFFF8, v4  }
0x88: {  	v2 =	vld.idx.msk [tilespmem:v2+s25+$0x0], $0xffff;
	v5 =	vand.u32 $0x7, v4;
	v1 =	vadd.s32 v3, v1  }
0x89: {  	v1 =	vor.u32 v5, v1;
	_ =	sdelay $0x2  }
0x8a: {  	v57 =	vadd.s32 $0x1, v4  }
0x8b: {  	[tilespmem:s29+$0x5600] =	vst v2;
	v2 =	vand.u32 $0xFFFFFFF8, v57  }
0x8c: {  	v5 =	vand.u32 $0x7, v57;
	v2 =	vadd.s32 v3, v2;
	v1 =	vld.idx.msk [tilespmem:v1+s23+$0x0], $0xffff  }
0x8d: {  	v2 =	vor.u32 v5, v2;
	_ =	sdelay $0x3  }
0x8e: {  	v58 =	vadd.s32 $0x2, v4;
	[tilespmem:s0+$0x4800] =	vst v1  }
0x8f: {  	v1 =	vand.u32 $0xFFFFFFF8, v58;
	v2 =	vld.idx.msk [tilespmem:v2+s23+$0x0], $0xffff  }
0x90: {  	v5 =	vand.u32 $0x7, v58;
	v1 =	vadd.s32 v3, v1  }
0x91: {  	v1 =	vor.u32 v5, v1;
	_ =	sdelay $0x2  }
0x92: {  	[tilespmem:s0+$0x4A00] =	vst v2;
	v2 =	vadd.s32 $0x3, v4  }
0x93: {  	v59 =	vld [tilespmem:s0+$0x600];
	v4 =	vand.u32 $0xFFFFFFF8, v2  }
0x94: {  	v1 =	vld.idx.msk [tilespmem:v1+s23+$0x0], $0xffff;
	v2 =	vand.u32 $0x7, v2;
	v4 =	vadd.s32 v3, v4  }
0x95: {  	v2 =	vor.u32 v2, v4;
	_ =	sdelay $0x3  }
0x96: {  	[tilespmem:s0+$0x4C00] =	vst v1;
	v1 =	vand.u32 $0xFFFFFFF8, v59  }
0x97: {  	v60 =	vand.u32 $0x7, v59;
	v1 =	vadd.s32 v3, v1;
	v2 =	vld.idx.msk [tilespmem:v2+s23+$0x0], $0xffff  }
0x98: {  	v1 =	vor.u32 v60, v1;
	_ =	sdelay $0x2  }
0x99: {  	v61 =	vadd.s32 $0x1, v59  }
0x9a: {  	[tilespmem:s0+$0x4E00] =	vst v2;
	v2 =	vand.u32 $0xFFFFFFF8, v61  }
0x9b: {  	v4 =	vand.u32 $0x7, v61;
	v1 =	vld.idx.msk [tilespmem:v1+s25+$0x0], $0xffff;
	v2 =	vadd.s32 v3, v2  }
0x9c: {  	v2 =	vor.u32 v4, v2;
	_ =	sdelay $0x2  }
0x9d: {  	v62 =	vadd.s32 $0x2, v59  }
0x9e: {  	[tilespmem:s0+$0x5000] =	vst v1;
	v1 =	vand.u32 $0xFFFFFFF8, v62  }
0x9f: {  	v4 =	vand.u32 $0x7, v62;
	v2 =	vld.idx.msk [tilespmem:v2+s25+$0x0], $0xffff;
	v1 =	vadd.s32 v3, v1  }
0xa0: {  	v1 =	vor.u32 v4, v1;
	_ =	sdelay $0x2  }
0xa1: {  	v63 =	vadd.s32 $0x3, v59  }
0xa2: {  	[tilespmem:s0+$0x5200] =	vst v2;
	v2 =	vand.u32 $0xFFFFFFF8, v63  }
0xa3: {  	v4 =	vand.u32 $0x7, v63;
	v1 =	vld.idx.msk [tilespmem:v1+s25+$0x0], $0xffff;
	v2 =	vadd.s32 v3, v2  }
0xa4: {  	v2 =	vor.u32 v4, v2;
	_ =	sdelay $0x3  }
0xa5: {  	[tilespmem:s0+$0x5400] =	vst v1  }
0xa6: {  	v1 =	vld.idx.msk [tilespmem:v2+s25+$0x0], $0xffff;
	_ =	sdelay $0x4  }
0xa7: {  	s31 =	simm.s32 $0x4800;
	[tilespmem:s0+$0x5600] =	vst v1  }
0xa8: {  	[hbm4b:s9+s2] =	stream.linear.scatter [tilespmem:s31], [sflag:$0x2], $0x200, $0x38;
	[tilespmem:$0x5800] =	vst v63  }
0xa9: {  	_ =	swait.ge [sflag:s18], $0x200  }
0xaa: {  	[sflag:s18] =	ssyncset.done $0x0  }
0xab: {  	s29 =	simm.s32 $0x4A00;
	[sflag:s18] =	ssyncadd.s32 $0xFFFFFE00  }
0xac: {  	[hbm4b:s10+s2] =	stream.linear.scatter [tilespmem:s29], [sflag:$0x2], $0x200, $0x38;
	[tilespmem:$0x5800] =	vst v63  }
0xad: {  	_ =	swait.ge [sflag:s18], $0x200  }
0xae: {  	[sflag:s18] =	ssyncset.done $0x0  }
0xaf: {  	s30 =	simm.s32 $0x4C00;
	[sflag:s18] =	ssyncadd.s32 $0xFFFFFE00  }
0xb0: {  	[hbm4b:s11+s2] =	stream.linear.scatter [tilespmem:s30], [sflag:$0x2], $0x200, $0x38;
	[tilespmem:$0x5800] =	vst v63  }
0xb1: {  	_ =	swait.ge [sflag:s18], $0x200  }
0xb2: {  	[sflag:s18] =	ssyncset.done $0x0  }
0xb3: {  	s31 =	simm.s32 $0x4E00;
	[sflag:s18] =	ssyncadd.s32 $0xFFFFFE00  }
0xb4: {  	[hbm4b:s12+s2] =	stream.linear.scatter [tilespmem:s31], [sflag:$0x2], $0x200, $0x38;
	[tilespmem:$0x5800] =	vst v63  }
0xb5: {  	_ =	swait.ge [sflag:s18], $0x200  }
0xb6: {  	[sflag:s18] =	ssyncset.done $0x0  }
0xb7: {  	[sflag:s18] =	ssyncadd.s32 $0xFFFFFE00  }
0xb8: {  	[hbm4b:s13+s2] =	stream.linear.scatter [tilespmem:s1], [sflag:$0x2], $0x200, $0x38;
	[tilespmem:$0x5800] =	vst v63  }
0xb9: {  	_ =	swait.ge [sflag:s18], $0x200  }
0xba: {  	[sflag:s18] =	ssyncset.done $0x0  }
0xbb: {  	[sflag:s18] =	ssyncadd.s32 $0xFFFFFE00  }
0xbc: {  	[hbm4b:s14+s2] =	stream.linear.scatter [tilespmem:s20], [sflag:$0x2], $0x200, $0x38;
	[tilespmem:$0x5800] =	vst v63  }
0xbd: {  	_ =	swait.ge [sflag:s18], $0x200  }
0xbe: {  	[sflag:s18] =	ssyncset.done $0x0  }
0xbf: {  	[sflag:s18] =	ssyncadd.s32 $0xFFFFFE00  }
0xc0: {  	[hbm4b:s15+s2] =	stream.linear.scatter [tilespmem:s21], [sflag:$0x2], $0x200, $0x38;
	[tilespmem:$0x5800] =	vst v63  }
0xc1: {  	s28 =	sadd.s32 $0x1, s28;
	_ =	swait.ge [sflag:s18], $0x200  }
0xc2: {  	p0 =	sne.s32 s28, s17;
	[sflag:s18] =	ssyncset.done $0x0  }
.Ltmp1:
0xc3: {  	[sflag:s18] =	ssyncadd.s32 $0xFFFFFE00;
	(pc) =	sbr.rel @p0 .LBB2_1-.Ltmp1, $4  }
0xc4: {  	[hbm4b:s16+s2] =	stream.linear.scatter [tilespmem:s26], [sflag:$0x2], $0x200, $0x38;
	[tilespmem:$0x5800] =	vst v63  }
0xc5: {  	_ =	swait.ge [sflag:s18], $0x200  }
0xc6: {  	[sflag:s18] =	ssyncset.done $0x0  }
0xc7: {  	[sflag:s18] =	ssyncadd.s32 $0xFFFFFE00  }
0xc8: {  	_ =	sfence.sel $0x180000  }
0xc9: {  	[bflag:$0x0] =	sbarrier.arrive $0xFFFF  }
0xca: {  	_ =	strace $0x9000004A  }
0xcb: {  	s0 =	stileid.u32;
	[bflag:$0x2] =	sbarrier.arrive $0xFFFF  }
0xcc: {  	p0 =	sne.s32 s0, $0x0;
	s0 =	rddreg [dreg:$0x1]  }
0xcd: {  	s0 =	sadd.s32 @!p0 $0x100000, s0  }
0xce: {  	[sflag:s0] =	ssyncadd.tile.s32 @!p0 $0x1;
	_ =	shalt  }
.Lfunc_end2:
_tile_overlayer_lowered:
.L_overlay_start_2:
0xcf: {  	(tag) =	ssettag $0x2  }
0xd0: {  	s0 =	rddreg [dreg:$0x0];
	s2 =	stileid.u32  }
0xd1: {  	s1 =	rddreg [dreg:$0x1];
	p0 =	sne.s32 s2, $0x0  }
0xd2: {  	s3 =	rddreg [dreg:$0x2];
	[bflag:$0x3] =	sbarrier.arrive $0xFFFF;
	s2 =	simm.s32 @!p0 $0x1C02  }
0xd3: {  	[timem:s3], [sflag:s2] =	dma.local @!p0 [hbm:s0], s1  }
0xd4: {  	s0 =	simm.s32 @!p0 $0x2  }
0xd5: {  	_ =	swait.ge @!p0 [sflag:s0], s1  }
0xd6: {  	s1 =	ssub.s32 @!p0 $0x0, s1;
	[sflag:s0] =	ssyncset.done @!p0 $0x0  }
0xd7: {  	[sflag:s0] =	ssyncadd.s32 @!p0 s1  }
0xd8: {  	[bflag:$0x3] =	sbarrier.arrive $0xFFFF  }
0xd9: {  	_ =	shalt  }

</sc_bundles>
